<compile_context>
chip_gen: v7x
topology: tpu7x:2x2x1
jax: 0.10.2.dev20260603
libtpu: 0.0.44.dev20260713+nightly
codegen_flags: <defaults>
</compile_context>

<pallas_src>
import functools

import numpy as np
import jax
import jax.numpy as jnp
from jax import lax
from jax.experimental import pallas as pl
from jax.experimental.pallas import tpu as pltpu
from jax.experimental.pallas import tpu_sc as plsc

_INT_MAX = 2**31 - 1
_START = (0, 0, 0)
_END = (4, _INT_MAX, 4096)
_STEP = (1, 2, 2)

_LANES = 16


def _static_indices(shape):
    idx = []
    for i in range(len(shape)):
        e = shape[i] if _END[i] == _INT_MAX else _END[i]
        n = max(0, -((_START[i] - e) // _STEP[i]))
        ids = _START[i] + _STEP[i] * np.arange(n, dtype=np.int64)
        ids = np.minimum(ids, e - 1)
        idx.append(ids)
    return idx


@functools.lru_cache(maxsize=None)
def _build(S2, R, n2, C, c_start, c_step, c_end):
    info = plsc.get_sparse_core_info()
    nw = info.num_cores * info.num_subcores
    rows_per_tile = R // nw
    nchunk = rows_per_tile // C
    groups = n2 // _LANES
    c_clamp_val = c_end - 1

    mesh = plsc.VectorSubcoreMesh(core_axis_name="c", subcore_axis_name="s")

    def body(x_hbm, rowidx_hbm, out_hbm,
             ridx_v, in_v0, in_v1, out_v0, out_v1,
             sem_in0, sem_in1, sem_out0, sem_out1):
        wid = lax.axis_index("s") * info.num_cores + lax.axis_index("c")
        base = wid * rows_per_tile
        pltpu.sync_copy(rowidx_hbm.at[pl.ds(base, rows_per_tile)], ridx_v)

        cstep_iota = c_step * lax.iota(jnp.int32, _LANES)
        c_clamp = jnp.full((_LANES,), c_clamp_val, dtype=jnp.int32)
        in_v = (in_v0, in_v1)
        out_v = (out_v0, out_v1)
        sem_in = (sem_in0, sem_in1)
        sem_out = (sem_out0, sem_out1)
        rvecs = [jnp.full((_LANES,), r, dtype=jnp.int32) for r in range(C)]

        def start_gather(b, g):
            pltpu.async_copy(
                x_hbm.at[ridx_v.at[pl.ds(g * C, C)]], in_v[b], sem_in[b])

        def compute(b):
            def j_body(j2, carry):
                for u in range(2):
                    j = j2 * 2 + u
                    cvec = jnp.minimum(
                        jnp.full((_LANES,), c_start + c_step * _LANES * j,
                                 dtype=jnp.int32) + cstep_iota,
                        c_clamp)
                    col0 = j * _LANES
                    vs = [plsc.load_gather(in_v[b], [rvecs[r], cvec])
                          for r in range(C)]
                    for r in range(C):
                        out_v[b][r, pl.ds(col0, _LANES)] = vs[r]
                return carry

            lax.fori_loop(0, groups // 2, j_body, 0)

        start_gather(0, 0)
        start_gather(1, 1)

        def pair_body(g2, carry):
            for b in range(2):
                g = g2 * 2 + b
                row0 = base + g * C

                @pl.when(g2 > 0)
                def _():
                    pltpu.make_async_copy(
                        out_v[b], out_hbm.at[pl.ds(row0, C)],
                        sem_out[b]).wait()

                pltpu.make_async_copy(
                    x_hbm.at[ridx_v.at[pl.ds(g * C, C)]], in_v[b],
                    sem_in[b]).wait()
                compute(b)
                pltpu.async_copy(
                    out_v[b], out_hbm.at[pl.ds(row0, C)],
                    sem_out[b])

                @pl.when(g + 2 < nchunk)
                def _():
                    start_gather(b, g + 2)
            return carry

        lax.fori_loop(0, nchunk // 2, pair_body, 0)

        for b in range(2):
            g = nchunk - 2 + b
            row0 = base + g * C
            pltpu.make_async_copy(
                out_v[b], out_hbm.at[pl.ds(row0, C)],
                sem_out[b]).wait()

    return pl.kernel(
        body,
        out_type=jax.ShapeDtypeStruct((R, n2), jnp.float32),
        mesh=mesh,
        compiler_params=pltpu.CompilerParams(
            use_tc_tiling_on_sc=True, needs_layout_passes=False,
            disable_bounds_checks=True),
        scratch_types=[
            pltpu.VMEM((rows_per_tile,), jnp.int32),
            pltpu.VMEM((C, S2), jnp.float32),
            pltpu.VMEM((C, S2), jnp.float32),
            pltpu.VMEM((C, n2), jnp.float32),
            pltpu.VMEM((C, n2), jnp.float32),
            pltpu.SemaphoreType.DMA,
            pltpu.SemaphoreType.DMA,
            pltpu.SemaphoreType.DMA,
            pltpu.SemaphoreType.DMA,
        ],
    )


def kernel(input, start, end, step):
    S0, S1, S2 = input.shape
    idx0, idx1, idx2 = _static_indices(input.shape)
    n0, n1, n2 = len(idx0), len(idx1), len(idx2)
    R = n0 * n1
    row_idx = (idx0[:, None] * S1 + idx1[None, :]).reshape(-1).astype(np.int32)
    x_flat = input.reshape(S0 * S1, S2)
    c_end = S2 if _END[2] == _INT_MAX else _END[2]
    run = _build(S2, R, n2, 8, _START[2], _STEP[2], c_end)
    out = run(x_flat, jnp.asarray(row_idx))
    return out.reshape(n0, n1, n2)

# --- scband reference (transcript-rebuilt; emitter-appended) ---
"""Pipeline reference for scband-deephi-strided-slice-88364657148144 (READ-ONLY COPY).

The authoritative reference and input builder live on the scoring server;
editing this copy changes nothing except your own understanding.
"""

import jax, jax.numpy as jnp
import numpy as np

INT_MAX = 2**31 - 1

def setup_inputs(seed: int = 0) -> dict:
    key = jax.random.key(seed)
    x = jax.random.normal(key, (4, 8192, 4096), dtype=jnp.float32)
    # start/end/step are per-dimension Python int lists (non-tensor args in the
    # original module). end uses NNDCT INT_MAX sentinel on dim 1 to mean 'to the end'.
    start = [0, 0, 0]
    end = [4, INT_MAX, 4096]
    step = [1, 2, 2]
    return {"input": x, "start": start, "end": end, "step": step}

def reference(input, start, end, step):
    # Faithful translation of deephi_StridedSlice.forward:
    # sequential torch.index_select (gather) along each dimension with an
    # arange(start, end, step) index vector; INT_MAX end -> full size of that dim.
    size = input.shape
    START_STATIC = (0, 0, 0)
    END_STATIC = (4, INT_MAX, 4096)
    STEP_STATIC = (1, 2, 2)
    out = input
    for i in range(len(start)):
        e_static = size[i] if END_STATIC[i] == INT_MAX else END_STATIC[i]
        n = max(0, -((START_STATIC[i] - e_static) // STEP_STATIC[i]))
        e = jnp.where(end[i] == INT_MAX, size[i], end[i])
        idx = start[i] + step[i] * jnp.arange(n)
        idx = jnp.minimum(idx, e - 1)
        out = jnp.take(out, idx, axis=i)
    return out

if __name__ == "__main__":
    import jax
    _d = setup_inputs()
    print(jax.jit(kernel)(*tuple(_d.values())))

</pallas_src>

<mosaic_0001>
#map = affine_map<(d0, d1) -> (0, 0)>
#map1 = affine_map<(d0, d1) -> (0)>
module attributes {stable_mosaic.version = 14 : i64} {
  func.func @body(%arg0: i32, %arg1: i32, %arg2: memref<32768x4096xf32, #tpu.memory_space<hbm>>, %arg3: memref<16384xi32, #tpu.memory_space<hbm>>, %arg4: memref<16384x2048xf32, #tpu.memory_space<hbm>>, %arg5: memref<512xi32, #tpu.memory_space<vmem>>, %arg6: memref<8x4096xf32, #tpu.memory_space<vmem>>, %arg7: memref<8x4096xf32, #tpu.memory_space<vmem>>, %arg8: memref<8x2048xf32, #tpu.memory_space<vmem>>, %arg9: memref<8x2048xf32, #tpu.memory_space<vmem>>, %arg10: memref<!tpu.dma_semaphore, #tpu.memory_space<semaphore_mem>>, %arg11: memref<!tpu.dma_semaphore, #tpu.memory_space<semaphore_mem>>, %arg12: memref<!tpu.dma_semaphore, #tpu.memory_space<semaphore_mem>>, %arg13: memref<!tpu.dma_semaphore, #tpu.memory_space<semaphore_mem>>) attributes {dimension_semantics = [#tpu.dimension_semantics<core_parallel>, #tpu.dimension_semantics<subcore_parallel>], iteration_bounds = array<i64: 2, 16>, scalar_prefetch = 0 : i64, scratch_operands = 9 : i64, tpu.core_type = #tpu.core_type<sc_vector_subcore>, window_params = [{transform_indices = #map}, {transform_indices = #map1}, {transform_indices = #map}]} {
    %mul3A = arith.constant 2 : i32
    %mul3A_0 = arith.muli %arg1, %mul3A : i32
    %add3A = arith.addi %mul3A_0, %arg0 : i32
    %mul3A_1 = arith.constant 512 : i32
    %mul3A_2 = arith.muli %add3A, %mul3A_1 : i32
    "tpu.region"() ({
      %run_scoped3A = tpu.sem_alloc : memref<!tpu.dma_semaphore, #tpu.memory_space<semaphore_mem>>
      %dma_start3A_48 = tpu.memref_slice %arg3[%mul3A_2] : memref<16384xi32, #tpu.memory_space<hbm>> -> memref<512xi32, #tpu.memory_space<hbm>>
      %dma_start3A_49 = tpu.memref_slice %arg3[%mul3A_2] : memref<16384xi32, #tpu.memory_space<hbm>> -> memref<512xi32, #tpu.memory_space<hbm>>
      tpu.enqueue_dma source(%dma_start3A_49 : memref<512xi32, #tpu.memory_space<hbm>>) target(%arg5 : memref<512xi32, #tpu.memory_space<vmem>>) target_semaphore(%run_scoped3A : memref<!tpu.dma_semaphore, #tpu.memory_space<semaphore_mem>>)
      %dma_wait3A_50 = tpu.memref_slice %arg3[%mul3A_2] : memref<16384xi32, #tpu.memory_space<hbm>> -> memref<512xi32, #tpu.memory_space<hbm>>
      %dma_wait3A_51 = tpu.memref_slice %arg3[%mul3A_2] : memref<16384xi32, #tpu.memory_space<hbm>> -> memref<512xi32, #tpu.memory_space<hbm>>
      tpu.wait_dma2 semaphore(%run_scoped3A : memref<!tpu.dma_semaphore, #tpu.memory_space<semaphore_mem>>) src(%dma_wait3A_51 : memref<512xi32, #tpu.memory_space<hbm>>) dst(%arg5 : memref<512xi32, #tpu.memory_space<vmem>>)
      tpu.yield
    }) : () -> ()
    %iota3A = tpu.iota {dimensions = array<i32: 0>} : vector<16xi32>
    %mul3A_3 = arith.constant 2 : i32
    %mul3A_4 = vector.broadcast %mul3A_3 : i32 to vector<16xi32>
    %mul3A_5 = arith.muli %mul3A_4, %iota3A : vector<16xi32>
    %broadcast_in_dim3A = arith.constant 4095 : i32
    %broadcast_in_dim3A_6 = vector.broadcast %broadcast_in_dim3A : i32 to vector<16xi32>
    %broadcast_in_dim3A_7 = arith.constant 0 : i32
    %broadcast_in_dim3A_8 = vector.broadcast %broadcast_in_dim3A_7 : i32 to vector<16xi32>
    %broadcast_in_dim3A_9 = arith.constant 1 : i32
    %broadcast_in_dim3A_10 = vector.broadcast %broadcast_in_dim3A_9 : i32 to vector<16xi32>
    %broadcast_in_dim3A_11 = arith.constant 2 : i32
    %broadcast_in_dim3A_12 = vector.broadcast %broadcast_in_dim3A_11 : i32 to vector<16xi32>
    %broadcast_in_dim3A_13 = arith.constant 3 : i32
    %broadcast_in_dim3A_14 = vector.broadcast %broadcast_in_dim3A_13 : i32 to vector<16xi32>
    %broadcast_in_dim3A_15 = arith.constant 4 : i32
    %broadcast_in_dim3A_16 = vector.broadcast %broadcast_in_dim3A_15 : i32 to vector<16xi32>
    %broadcast_in_dim3A_17 = arith.constant 5 : i32
    %broadcast_in_dim3A_18 = vector.broadcast %broadcast_in_dim3A_17 : i32 to vector<16xi32>
    %broadcast_in_dim3A_19 = arith.constant 6 : i32
    %broadcast_in_dim3A_20 = vector.broadcast %broadcast_in_dim3A_19 : i32 to vector<16xi32>
    %broadcast_in_dim3A_21 = arith.constant 7 : i32
    %broadcast_in_dim3A_22 = vector.broadcast %broadcast_in_dim3A_21 : i32 to vector<16xi32>
    %dma_start3A = arith.constant 0 : i32
    %dma_start3A_23 = tpu.memref_slice %arg5[%dma_start3A] : memref<512xi32, #tpu.memory_space<vmem>> -> memref<8xi32, #tpu.memory_space<vmem>>
    %dma_start3A_24 = arith.constant 0 : i32
    %dma_start3A_25 = arith.constant 0 : i32
    %dma_start3A_26 = tpu.memref_slice %arg2[%dma_start3A_24, %dma_start3A_25] : memref<32768x4096xf32, #tpu.memory_space<hbm>> -> memref<32768x4096xf32, #tpu.memory_space<hbm>>
    tpu.enqueue_indirect_dma source(%dma_start3A_26 : memref<32768x4096xf32, #tpu.memory_space<hbm>>) target(%arg6 : memref<8x4096xf32, #tpu.memory_space<vmem>>) offsets(%dma_start3A_23 : memref<8xi32, #tpu.memory_space<vmem>>) semaphore(%arg10 : memref<!tpu.dma_semaphore, #tpu.memory_space<semaphore_mem>>)
    %dma_start3A_27 = arith.constant 8 : i32
    %dma_start3A_28 = tpu.memref_slice %arg5[%dma_start3A_27] : memref<512xi32, #tpu.memory_space<vmem>> -> memref<8xi32, #tpu.memory_space<vmem>>
    %dma_start3A_29 = arith.constant 0 : i32
    %dma_start3A_30 = arith.constant 0 : i32
    %dma_start3A_31 = tpu.memref_slice %arg2[%dma_start3A_29, %dma_start3A_30] : memref<32768x4096xf32, #tpu.memory_space<hbm>> -> memref<32768x4096xf32, #tpu.memory_space<hbm>>
    tpu.enqueue_indirect_dma source(%dma_start3A_31 : memref<32768x4096xf32, #tpu.memory_space<hbm>>) target(%arg7 : memref<8x4096xf32, #tpu.memory_space<vmem>>) offsets(%dma_start3A_28 : memref<8xi32, #tpu.memory_space<vmem>>) semaphore(%arg11 : memref<!tpu.dma_semaphore, #tpu.memory_space<semaphore_mem>>)
    %scan3A = arith.constant 0 : i32
    %scan3A_32 = arith.constant 0 : i32
    %scan3A_33 = arith.constant 32 : i32
    %scan3A_34 = arith.addi %scan3A_32, %scan3A_33 : i32
    %scan3A_35 = arith.constant 1 : i32
    scf.for %scan3A_48 = %scan3A_32 to %scan3A_34 step %scan3A_35  : i32 {
      %mul3A_49 = arith.constant 2 : i32
      %mul3A_50 = arith.muli %scan3A_48, %mul3A_49 : i32
      %add3A_51 = arith.constant 0 : i32
      %add3A_52 = arith.addi %mul3A_50, %add3A_51 : i32
      %mul3A_53 = arith.constant 8 : i32
      %mul3A_54 = arith.muli %add3A_52, %mul3A_53 : i32
      %add3A_55 = arith.addi %mul3A_2, %mul3A_54 : i32
      %gt3A = arith.constant 0 : i32
      %gt3A_56 = arith.cmpi sgt, %scan3A_48, %gt3A : i32
      %convert_element_type3A = arith.extui %gt3A_56 : i1 to i32
      %cond3A = arith.constant 0 : i32
      %cond3A_57 = arith.cmpi ne, %convert_element_type3A, %cond3A : i32
      scf.if %cond3A_57 {
        %dma_wait3A_115 = arith.constant 0 : i32
        %dma_wait3A_116 = tpu.memref_slice %arg4[%add3A_55, %dma_wait3A_115] : memref<16384x2048xf32, #tpu.memory_space<hbm>> -> memref<8x2048xf32, #tpu.memory_space<hbm>>
        %dma_wait3A_117 = arith.constant 0 : i32
        %dma_wait3A_118 = tpu.memref_slice %arg4[%add3A_55, %dma_wait3A_117] : memref<16384x2048xf32, #tpu.memory_space<hbm>> -> memref<8x2048xf32, #tpu.memory_space<hbm>>
        tpu.wait_dma2 semaphore(%arg12 : memref<!tpu.dma_semaphore, #tpu.memory_space<semaphore_mem>>) src(%arg8 : memref<8x2048xf32, #tpu.memory_space<vmem>>) dst(%dma_wait3A_118 : memref<8x2048xf32, #tpu.memory_space<hbm>>)
      } else {
      }
      %mul3A_58 = arith.constant 8 : i32
      %mul3A_59 = arith.muli %add3A_52, %mul3A_58 : i32
      %dma_wait3A_60 = tpu.memref_slice %arg5[%mul3A_59] : memref<512xi32, #tpu.memory_space<vmem>> -> memref<8xi32, #tpu.memory_space<vmem>>
      %dma_wait3A_61 = arith.constant 0 : i32
      %dma_wait3A_62 = arith.constant 0 : i32
      %dma_wait3A_63 = tpu.memref_slice %arg2[%dma_wait3A_61, %dma_wait3A_62] : memref<32768x4096xf32, #tpu.memory_space<hbm>> -> memref<32768x4096xf32, #tpu.memory_space<hbm>>
      tpu.wait_indirect_dma semaphore(%arg10 : memref<!tpu.dma_semaphore, #tpu.memory_space<semaphore_mem>>) src(%dma_wait3A_63 : memref<32768x4096xf32, #tpu.memory_space<hbm>>) dst(%arg6 : memref<8x4096xf32, #tpu.memory_space<vmem>>)
      %scan3A_64 = arith.constant 0 : i32
      %scan3A_65 = arith.constant 0 : i32
      %scan3A_66 = arith.constant 64 : i32
      %scan3A_67 = arith.addi %scan3A_65, %scan3A_66 : i32
      %scan3A_68 = arith.constant 1 : i32
      scf.for %scan3A_115 = %scan3A_65 to %scan3A_67 step %scan3A_68  : i32 {
        %mul3A_116 = arith.constant 2 : i32
        %mul3A_117 = arith.muli %scan3A_115, %mul3A_116 : i32
        %add3A_118 = arith.constant 0 : i32
        %add3A_119 = arith.addi %mul3A_117, %add3A_118 : i32
        %mul3A_120 = arith.constant 32 : i32
        %mul3A_121 = arith.muli %mul3A_120, %add3A_119 : i32
        %add3A_122 = arith.constant 0 : i32
        %add3A_123 = arith.addi %add3A_122, %mul3A_121 : i32
        %broadcast_in_dim3A_124 = vector.broadcast %add3A_123 : i32 to vector<16xi32>
        %add3A_125 = arith.addi %broadcast_in_dim3A_124, %mul3A_5 : vector<16xi32>
        %min3A = arith.minsi %add3A_125, %broadcast_in_dim3A_6 : vector<16xi32>
        %mul3A_126 = arith.constant 16 : i32
        %mul3A_127 = arith.muli %add3A_119, %mul3A_126 : i32
        %gather3A = tpu.vector_load_idx %arg6[%broadcast_in_dim3A_8, %min3A] : memref<8x4096xf32, #tpu.memory_space<vmem>>[vector<16xi32>, vector<16xi32>], vector<16xf32>,
        %gather3A_128 = tpu.vector_load_idx %arg6[%broadcast_in_dim3A_10, %min3A] : memref<8x4096xf32, #tpu.memory_space<vmem>>[vector<16xi32>, vector<16xi32>], vector<16xf32>,
        %gather3A_129 = tpu.vector_load_idx %arg6[%broadcast_in_dim3A_12, %min3A] : memref<8x4096xf32, #tpu.memory_space<vmem>>[vector<16xi32>, vector<16xi32>], vector<16xf32>,
        %gather3A_130 = tpu.vector_load_idx %arg6[%broadcast_in_dim3A_14, %min3A] : memref<8x4096xf32, #tpu.memory_space<vmem>>[vector<16xi32>, vector<16xi32>], vector<16xf32>,
        %gather3A_131 = tpu.vector_load_idx %arg6[%broadcast_in_dim3A_16, %min3A] : memref<8x4096xf32, #tpu.memory_space<vmem>>[vector<16xi32>, vector<16xi32>], vector<16xf32>,
        %gather3A_132 = tpu.vector_load_idx %arg6[%broadcast_in_dim3A_18, %min3A] : memref<8x4096xf32, #tpu.memory_space<vmem>>[vector<16xi32>, vector<16xi32>], vector<16xf32>,
        %gather3A_133 = tpu.vector_load_idx %arg6[%broadcast_in_dim3A_20, %min3A] : memref<8x4096xf32, #tpu.memory_space<vmem>>[vector<16xi32>, vector<16xi32>], vector<16xf32>,
        %gather3A_134 = tpu.vector_load_idx %arg6[%broadcast_in_dim3A_22, %min3A] : memref<8x4096xf32, #tpu.memory_space<vmem>>[vector<16xi32>, vector<16xi32>], vector<16xf32>,
        %swap3A = arith.constant 0 : i32
        %swap3A_135 = arith.index_cast %swap3A : i32 to index
        %swap3A_136 = arith.index_cast %mul3A_127 : i32 to index
        %swap3A_137 = tpu.vector_load %arg8[%swap3A_135, %swap3A_136] {strides = array<i32>} : memref<8x2048xf32, #tpu.memory_space<vmem>>, vector<16xf32>,
        tpu.vector_store %arg8[%swap3A_135, %swap3A_136], %gather3A {strides = array<i32>} : memref<8x2048xf32, #tpu.memory_space<vmem>>, vector<16xf32>,
        %swap3A_138 = arith.constant 1 : i32
        %swap3A_139 = arith.index_cast %swap3A_138 : i32 to index
        %swap3A_140 = arith.index_cast %mul3A_127 : i32 to index
        %swap3A_141 = tpu.vector_load %arg8[%swap3A_139, %swap3A_140] {strides = array<i32>} : memref<8x2048xf32, #tpu.memory_space<vmem>>, vector<16xf32>,
        tpu.vector_store %arg8[%swap3A_139, %swap3A_140], %gather3A_128 {strides = array<i32>} : memref<8x2048xf32, #tpu.memory_space<vmem>>, vector<16xf32>,
        %swap3A_142 = arith.constant 2 : i32
        %swap3A_143 = arith.index_cast %swap3A_142 : i32 to index
        %swap3A_144 = arith.index_cast %mul3A_127 : i32 to index
        %swap3A_145 = tpu.vector_load %arg8[%swap3A_143, %swap3A_144] {strides = array<i32>} : memref<8x2048xf32, #tpu.memory_space<vmem>>, vector<16xf32>,
        tpu.vector_store %arg8[%swap3A_143, %swap3A_144], %gather3A_129 {strides = array<i32>} : memref<8x2048xf32, #tpu.memory_space<vmem>>, vector<16xf32>,
        %swap3A_146 = arith.constant 3 : i32
        %swap3A_147 = arith.index_cast %swap3A_146 : i32 to index
        %swap3A_148 = arith.index_cast %mul3A_127 : i32 to index
        %swap3A_149 = tpu.vector_load %arg8[%swap3A_147, %swap3A_148] {strides = array<i32>} : memref<8x2048xf32, #tpu.memory_space<vmem>>, vector<16xf32>,
        tpu.vector_store %arg8[%swap3A_147, %swap3A_148], %gather3A_130 {strides = array<i32>} : memref<8x2048xf32, #tpu.memory_space<vmem>>, vector<16xf32>,
        %swap3A_150 = arith.constant 4 : i32
        %swap3A_151 = arith.index_cast %swap3A_150 : i32 to index
        %swap3A_152 = arith.index_cast %mul3A_127 : i32 to index
        %swap3A_153 = tpu.vector_load %arg8[%swap3A_151, %swap3A_152] {strides = array<i32>} : memref<8x2048xf32, #tpu.memory_space<vmem>>, vector<16xf32>,
        tpu.vector_store %arg8[%swap3A_151, %swap3A_152], %gather3A_131 {strides = array<i32>} : memref<8x2048xf32, #tpu.memory_space<vmem>>, vector<16xf32>,
        %swap3A_154 = arith.constant 5 : i32
        %swap3A_155 = arith.index_cast %swap3A_154 : i32 to index
        %swap3A_156 = arith.index_cast %mul3A_127 : i32 to index
        %swap3A_157 = tpu.vector_load %arg8[%swap3A_155, %swap3A_156] {strides = array<i32>} : memref<8x2048xf32, #tpu.memory_space<vmem>>, vector<16xf32>,
        tpu.vector_store %arg8[%swap3A_155, %swap3A_156], %gather3A_132 {strides = array<i32>} : memref<8x2048xf32, #tpu.memory_space<vmem>>, vector<16xf32>,
        %swap3A_158 = arith.constant 6 : i32
        %swap3A_159 = arith.index_cast %swap3A_158 : i32 to index
        %swap3A_160 = arith.index_cast %mul3A_127 : i32 to index
        %swap3A_161 = tpu.vector_load %arg8[%swap3A_159, %swap3A_160] {strides = array<i32>} : memref<8x2048xf32, #tpu.memory_space<vmem>>, vector<16xf32>,
        tpu.vector_store %arg8[%swap3A_159, %swap3A_160], %gather3A_133 {strides = array<i32>} : memref<8x2048xf32, #tpu.memory_space<vmem>>, vector<16xf32>,
        %swap3A_162 = arith.constant 7 : i32
        %swap3A_163 = arith.index_cast %swap3A_162 : i32 to index
        %swap3A_164 = arith.index_cast %mul3A_127 : i32 to index
        %swap3A_165 = tpu.vector_load %arg8[%swap3A_163, %swap3A_164] {strides = array<i32>} : memref<8x2048xf32, #tpu.memory_space<vmem>>, vector<16xf32>,
        tpu.vector_store %arg8[%swap3A_163, %swap3A_164], %gather3A_134 {strides = array<i32>} : memref<8x2048xf32, #tpu.memory_space<vmem>>, vector<16xf32>,
        %mul3A_166 = arith.constant 2 : i32
        %mul3A_167 = arith.muli %scan3A_115, %mul3A_166 : i32
        %add3A_168 = arith.constant 1 : i32
        %add3A_169 = arith.addi %mul3A_167, %add3A_168 : i32
        %mul3A_170 = arith.constant 32 : i32
        %mul3A_171 = arith.muli %mul3A_170, %add3A_169 : i32
        %add3A_172 = arith.constant 0 : i32
        %add3A_173 = arith.addi %add3A_172, %mul3A_171 : i32
        %broadcast_in_dim3A_174 = vector.broadcast %add3A_173 : i32 to vector<16xi32>
        %add3A_175 = arith.addi %broadcast_in_dim3A_174, %mul3A_5 : vector<16xi32>
        %min3A_176 = arith.minsi %add3A_175, %broadcast_in_dim3A_6 : vector<16xi32>
        %mul3A_177 = arith.constant 16 : i32
        %mul3A_178 = arith.muli %add3A_169, %mul3A_177 : i32
        %gather3A_179 = tpu.vector_load_idx %arg6[%broadcast_in_dim3A_8, %min3A_176] : memref<8x4096xf32, #tpu.memory_space<vmem>>[vector<16xi32>, vector<16xi32>], vector<16xf32>,
        %gather3A_180 = tpu.vector_load_idx %arg6[%broadcast_in_dim3A_10, %min3A_176] : memref<8x4096xf32, #tpu.memory_space<vmem>>[vector<16xi32>, vector<16xi32>], vector<16xf32>,
        %gather3A_181 = tpu.vector_load_idx %arg6[%broadcast_in_dim3A_12, %min3A_176] : memref<8x4096xf32, #tpu.memory_space<vmem>>[vector<16xi32>, vector<16xi32>], vector<16xf32>,
        %gather3A_182 = tpu.vector_load_idx %arg6[%broadcast_in_dim3A_14, %min3A_176] : memref<8x4096xf32, #tpu.memory_space<vmem>>[vector<16xi32>, vector<16xi32>], vector<16xf32>,
        %gather3A_183 = tpu.vector_load_idx %arg6[%broadcast_in_dim3A_16, %min3A_176] : memref<8x4096xf32, #tpu.memory_space<vmem>>[vector<16xi32>, vector<16xi32>], vector<16xf32>,
        %gather3A_184 = tpu.vector_load_idx %arg6[%broadcast_in_dim3A_18, %min3A_176] : memref<8x4096xf32, #tpu.memory_space<vmem>>[vector<16xi32>, vector<16xi32>], vector<16xf32>,
        %gather3A_185 = tpu.vector_load_idx %arg6[%broadcast_in_dim3A_20, %min3A_176] : memref<8x4096xf32, #tpu.memory_space<vmem>>[vector<16xi32>, vector<16xi32>], vector<16xf32>,
        %gather3A_186 = tpu.vector_load_idx %arg6[%broadcast_in_dim3A_22, %min3A_176] : memref<8x4096xf32, #tpu.memory_space<vmem>>[vector<16xi32>, vector<16xi32>], vector<16xf32>,
        %swap3A_187 = arith.constant 0 : i32
        %swap3A_188 = arith.index_cast %swap3A_187 : i32 to index
        %swap3A_189 = arith.index_cast %mul3A_178 : i32 to index
        %swap3A_190 = tpu.vector_load %arg8[%swap3A_188, %swap3A_189] {strides = array<i32>} : memref<8x2048xf32, #tpu.memory_space<vmem>>, vector<16xf32>,
        tpu.vector_store %arg8[%swap3A_188, %swap3A_189], %gather3A_179 {strides = array<i32>} : memref<8x2048xf32, #tpu.memory_space<vmem>>, vector<16xf32>,
        %swap3A_191 = arith.constant 1 : i32
        %swap3A_192 = arith.index_cast %swap3A_191 : i32 to index
        %swap3A_193 = arith.index_cast %mul3A_178 : i32 to index
        %swap3A_194 = tpu.vector_load %arg8[%swap3A_192, %swap3A_193] {strides = array<i32>} : memref<8x2048xf32, #tpu.memory_space<vmem>>, vector<16xf32>,
        tpu.vector_store %arg8[%swap3A_192, %swap3A_193], %gather3A_180 {strides = array<i32>} : memref<8x2048xf32, #tpu.memory_space<vmem>>, vector<16xf32>,
        %swap3A_195 = arith.constant 2 : i32
        %swap3A_196 = arith.index_cast %swap3A_195 : i32 to index
        %swap3A_197 = arith.index_cast %mul3A_178 : i32 to index
        %swap3A_198 = tpu.vector_load %arg8[%swap3A_196, %swap3A_197] {strides = array<i32>} : memref<8x2048xf32, #tpu.memory_space<vmem>>, vector<16xf32>,
        tpu.vector_store %arg8[%swap3A_196, %swap3A_197], %gather3A_181 {strides = array<i32>} : memref<8x2048xf32, #tpu.memory_space<vmem>>, vector<16xf32>,
        %swap3A_199 = arith.constant 3 : i32
        %swap3A_200 = arith.index_cast %swap3A_199 : i32 to index
        %swap3A_201 = arith.index_cast %mul3A_178 : i32 to index
        %swap3A_202 = tpu.vector_load %arg8[%swap3A_200, %swap3A_201] {strides = array<i32>} : memref<8x2048xf32, #tpu.memory_space<vmem>>, vector<16xf32>,
        tpu.vector_store %arg8[%swap3A_200, %swap3A_201], %gather3A_182 {strides = array<i32>} : memref<8x2048xf32, #tpu.memory_space<vmem>>, vector<16xf32>,
        %swap3A_203 = arith.constant 4 : i32
        %swap3A_204 = arith.index_cast %swap3A_203 : i32 to index
        %swap3A_205 = arith.index_cast %mul3A_178 : i32 to index
        %swap3A_206 = tpu.vector_load %arg8[%swap3A_204, %swap3A_205] {strides = array<i32>} : memref<8x2048xf32, #tpu.memory_space<vmem>>, vector<16xf32>,
        tpu.vector_store %arg8[%swap3A_204, %swap3A_205], %gather3A_183 {strides = array<i32>} : memref<8x2048xf32, #tpu.memory_space<vmem>>, vector<16xf32>,
        %swap3A_207 = arith.constant 5 : i32
        %swap3A_208 = arith.index_cast %swap3A_207 : i32 to index
        %swap3A_209 = arith.index_cast %mul3A_178 : i32 to index
        %swap3A_210 = tpu.vector_load %arg8[%swap3A_208, %swap3A_209] {strides = array<i32>} : memref<8x2048xf32, #tpu.memory_space<vmem>>, vector<16xf32>,
        tpu.vector_store %arg8[%swap3A_208, %swap3A_209], %gather3A_184 {strides = array<i32>} : memref<8x2048xf32, #tpu.memory_space<vmem>>, vector<16xf32>,
        %swap3A_211 = arith.constant 6 : i32
        %swap3A_212 = arith.index_cast %swap3A_211 : i32 to index
        %swap3A_213 = arith.index_cast %mul3A_178 : i32 to index
        %swap3A_214 = tpu.vector_load %arg8[%swap3A_212, %swap3A_213] {strides = array<i32>} : memref<8x2048xf32, #tpu.memory_space<vmem>>, vector<16xf32>,
        tpu.vector_store %arg8[%swap3A_212, %swap3A_213], %gather3A_185 {strides = array<i32>} : memref<8x2048xf32, #tpu.memory_space<vmem>>, vector<16xf32>,
        %swap3A_215 = arith.constant 7 : i32
        %swap3A_216 = arith.index_cast %swap3A_215 : i32 to index
        %swap3A_217 = arith.index_cast %mul3A_178 : i32 to index
        %swap3A_218 = tpu.vector_load %arg8[%swap3A_216, %swap3A_217] {strides = array<i32>} : memref<8x2048xf32, #tpu.memory_space<vmem>>, vector<16xf32>,
        tpu.vector_store %arg8[%swap3A_216, %swap3A_217], %gather3A_186 {strides = array<i32>} : memref<8x2048xf32, #tpu.memory_space<vmem>>, vector<16xf32>,
      }
      %scan3A_69 = arith.constant 64 : i32
      %dma_start3A_70 = arith.constant 0 : i32
      %dma_start3A_71 = tpu.memref_slice %arg4[%add3A_55, %dma_start3A_70] : memref<16384x2048xf32, #tpu.memory_space<hbm>> -> memref<8x2048xf32, #tpu.memory_space<hbm>>
      %dma_start3A_72 = arith.constant 0 : i32
      %dma_start3A_73 = tpu.memref_slice %arg4[%add3A_55, %dma_start3A_72] : memref<16384x2048xf32, #tpu.memory_space<hbm>> -> memref<8x2048xf32, #tpu.memory_space<hbm>>
      tpu.enqueue_dma source(%arg8 : memref<8x2048xf32, #tpu.memory_space<vmem>>) target(%dma_start3A_73 : memref<8x2048xf32, #tpu.memory_space<hbm>>) target_semaphore(%arg12 : memref<!tpu.dma_semaphore, #tpu.memory_space<semaphore_mem>>)
      %add3A_74 = arith.constant 2 : i32
      %add3A_75 = arith.addi %add3A_52, %add3A_74 : i32
      %lt3A = arith.constant 64 : i32
      %lt3A_76 = arith.cmpi slt, %add3A_75, %lt3A : i32
      %convert_element_type3A_77 = arith.extui %lt3A_76 : i1 to i32
      %cond3A_78 = arith.constant 0 : i32
      %cond3A_79 = arith.cmpi ne, %convert_element_type3A_77, %cond3A_78 : i32
      scf.if %cond3A_79 {
        %add3A_115 = arith.constant 2 : i32
        %add3A_116 = arith.addi %add3A_52, %add3A_115 : i32
        %mul3A_117 = arith.constant 8 : i32
        %mul3A_118 = arith.muli %add3A_116, %mul3A_117 : i32
        %dma_start3A_119 = tpu.memref_slice %arg5[%mul3A_118] : memref<512xi32, #tpu.memory_space<vmem>> -> memref<8xi32, #tpu.memory_space<vmem>>
        %dma_start3A_120 = arith.constant 0 : i32
        %dma_start3A_121 = arith.constant 0 : i32
        %dma_start3A_122 = tpu.memref_slice %arg2[%dma_start3A_120, %dma_start3A_121] : memref<32768x4096xf32, #tpu.memory_space<hbm>> -> memref<32768x4096xf32, #tpu.memory_space<hbm>>
        tpu.enqueue_indirect_dma source(%dma_start3A_122 : memref<32768x4096xf32, #tpu.memory_space<hbm>>) target(%arg6 : memref<8x4096xf32, #tpu.memory_space<vmem>>) offsets(%dma_start3A_119 : memref<8xi32, #tpu.memory_space<vmem>>) semaphore(%arg10 : memref<!tpu.dma_semaphore, #tpu.memory_space<semaphore_mem>>)
      } else {
      }
      %mul3A_80 = arith.constant 2 : i32
      %mul3A_81 = arith.muli %scan3A_48, %mul3A_80 : i32
      %add3A_82 = arith.constant 1 : i32
      %add3A_83 = arith.addi %mul3A_81, %add3A_82 : i32
      %mul3A_84 = arith.constant 8 : i32
      %mul3A_85 = arith.muli %add3A_83, %mul3A_84 : i32
      %add3A_86 = arith.addi %mul3A_2, %mul3A_85 : i32
      %gt3A_87 = arith.constant 0 : i32
      %gt3A_88 = arith.cmpi sgt, %scan3A_48, %gt3A_87 : i32
      %convert_element_type3A_89 = arith.extui %gt3A_88 : i1 to i32
      %cond3A_90 = arith.constant 0 : i32
      %cond3A_91 = arith.cmpi ne, %convert_element_type3A_89, %cond3A_90 : i32
      scf.if %cond3A_91 {
        %dma_wait3A_115 = arith.constant 0 : i32
        %dma_wait3A_116 = tpu.memref_slice %arg4[%add3A_86, %dma_wait3A_115] : memref<16384x2048xf32, #tpu.memory_space<hbm>> -> memref<8x2048xf32, #tpu.memory_space<hbm>>
        %dma_wait3A_117 = arith.constant 0 : i32
        %dma_wait3A_118 = tpu.memref_slice %arg4[%add3A_86, %dma_wait3A_117] : memref<16384x2048xf32, #tpu.memory_space<hbm>> -> memref<8x2048xf32, #tpu.memory_space<hbm>>
        tpu.wait_dma2 semaphore(%arg13 : memref<!tpu.dma_semaphore, #tpu.memory_space<semaphore_mem>>) src(%arg9 : memref<8x2048xf32, #tpu.memory_space<vmem>>) dst(%dma_wait3A_118 : memref<8x2048xf32, #tpu.memory_space<hbm>>)
      } else {
      }
      %mul3A_92 = arith.constant 8 : i32
      %mul3A_93 = arith.muli %add3A_83, %mul3A_92 : i32
      %dma_wait3A_94 = tpu.memref_slice %arg5[%mul3A_93] : memref<512xi32, #tpu.memory_space<vmem>> -> memref<8xi32, #tpu.memory_space<vmem>>
      %dma_wait3A_95 = arith.constant 0 : i32
      %dma_wait3A_96 = arith.constant 0 : i32
      %dma_wait3A_97 = tpu.memref_slice %arg2[%dma_wait3A_95, %dma_wait3A_96] : memref<32768x4096xf32, #tpu.memory_space<hbm>> -> memref<32768x4096xf32, #tpu.memory_space<hbm>>
      tpu.wait_indirect_dma semaphore(%arg11 : memref<!tpu.dma_semaphore, #tpu.memory_space<semaphore_mem>>) src(%dma_wait3A_97 : memref<32768x4096xf32, #tpu.memory_space<hbm>>) dst(%arg7 : memref<8x4096xf32, #tpu.memory_space<vmem>>)
      %scan3A_98 = arith.constant 0 : i32
      %scan3A_99 = arith.constant 0 : i32
      %scan3A_100 = arith.constant 64 : i32
      %scan3A_101 = arith.addi %scan3A_99, %scan3A_100 : i32
      %scan3A_102 = arith.constant 1 : i32
      scf.for %scan3A_115 = %scan3A_99 to %scan3A_101 step %scan3A_102  : i32 {
        %mul3A_116 = arith.constant 2 : i32
        %mul3A_117 = arith.muli %scan3A_115, %mul3A_116 : i32
        %add3A_118 = arith.constant 0 : i32
        %add3A_119 = arith.addi %mul3A_117, %add3A_118 : i32
        %mul3A_120 = arith.constant 32 : i32
        %mul3A_121 = arith.muli %mul3A_120, %add3A_119 : i32
        %add3A_122 = arith.constant 0 : i32
        %add3A_123 = arith.addi %add3A_122, %mul3A_121 : i32
        %broadcast_in_dim3A_124 = vector.broadcast %add3A_123 : i32 to vector<16xi32>
        %add3A_125 = arith.addi %broadcast_in_dim3A_124, %mul3A_5 : vector<16xi32>
        %min3A = arith.minsi %add3A_125, %broadcast_in_dim3A_6 : vector<16xi32>
        %mul3A_126 = arith.constant 16 : i32
        %mul3A_127 = arith.muli %add3A_119, %mul3A_126 : i32
        %gather3A = tpu.vector_load_idx %arg7[%broadcast_in_dim3A_8, %min3A] : memref<8x4096xf32, #tpu.memory_space<vmem>>[vector<16xi32>, vector<16xi32>], vector<16xf32>,
        %gather3A_128 = tpu.vector_load_idx %arg7[%broadcast_in_dim3A_10, %min3A] : memref<8x4096xf32, #tpu.memory_space<vmem>>[vector<16xi32>, vector<16xi32>], vector<16xf32>,
        %gather3A_129 = tpu.vector_load_idx %arg7[%broadcast_in_dim3A_12, %min3A] : memref<8x4096xf32, #tpu.memory_space<vmem>>[vector<16xi32>, vector<16xi32>], vector<16xf32>,
        %gather3A_130 = tpu.vector_load_idx %arg7[%broadcast_in_dim3A_14, %min3A] : memref<8x4096xf32, #tpu.memory_space<vmem>>[vector<16xi32>, vector<16xi32>], vector<16xf32>,
        %gather3A_131 = tpu.vector_load_idx %arg7[%broadcast_in_dim3A_16, %min3A] : memref<8x4096xf32, #tpu.memory_space<vmem>>[vector<16xi32>, vector<16xi32>], vector<16xf32>,
        %gather3A_132 = tpu.vector_load_idx %arg7[%broadcast_in_dim3A_18, %min3A] : memref<8x4096xf32, #tpu.memory_space<vmem>>[vector<16xi32>, vector<16xi32>], vector<16xf32>,
        %gather3A_133 = tpu.vector_load_idx %arg7[%broadcast_in_dim3A_20, %min3A] : memref<8x4096xf32, #tpu.memory_space<vmem>>[vector<16xi32>, vector<16xi32>], vector<16xf32>,
        %gather3A_134 = tpu.vector_load_idx %arg7[%broadcast_in_dim3A_22, %min3A] : memref<8x4096xf32, #tpu.memory_space<vmem>>[vector<16xi32>, vector<16xi32>], vector<16xf32>,
        %swap3A = arith.constant 0 : i32
        %swap3A_135 = arith.index_cast %swap3A : i32 to index
        %swap3A_136 = arith.index_cast %mul3A_127 : i32 to index
        %swap3A_137 = tpu.vector_load %arg9[%swap3A_135, %swap3A_136] {strides = array<i32>} : memref<8x2048xf32, #tpu.memory_space<vmem>>, vector<16xf32>,
        tpu.vector_store %arg9[%swap3A_135, %swap3A_136], %gather3A {strides = array<i32>} : memref<8x2048xf32, #tpu.memory_space<vmem>>, vector<16xf32>,
        %swap3A_138 = arith.constant 1 : i32
        %swap3A_139 = arith.index_cast %swap3A_138 : i32 to index
        %swap3A_140 = arith.index_cast %mul3A_127 : i32 to index
        %swap3A_141 = tpu.vector_load %arg9[%swap3A_139, %swap3A_140] {strides = array<i32>} : memref<8x2048xf32, #tpu.memory_space<vmem>>, vector<16xf32>,
        tpu.vector_store %arg9[%swap3A_139, %swap3A_140], %gather3A_128 {strides = array<i32>} : memref<8x2048xf32, #tpu.memory_space<vmem>>, vector<16xf32>,
        %swap3A_142 = arith.constant 2 : i32
        %swap3A_143 = arith.index_cast %swap3A_142 : i32 to index
        %swap3A_144 = arith.index_cast %mul3A_127 : i32 to index
        %swap3A_145 = tpu.vector_load %arg9[%swap3A_143, %swap3A_144] {strides = array<i32>} : memref<8x2048xf32, #tpu.memory_space<vmem>>, vector<16xf32>,
        tpu.vector_store %arg9[%swap3A_143, %swap3A_144], %gather3A_129 {strides = array<i32>} : memref<8x2048xf32, #tpu.memory_space<vmem>>, vector<16xf32>,
        %swap3A_146 = arith.constant 3 : i32
        %swap3A_147 = arith.index_cast %swap3A_146 : i32 to index
        %swap3A_148 = arith.index_cast %mul3A_127 : i32 to index
        %swap3A_149 = tpu.vector_load %arg9[%swap3A_147, %swap3A_148] {strides = array<i32>} : memref<8x2048xf32, #tpu.memory_space<vmem>>, vector<16xf32>,
        tpu.vector_store %arg9[%swap3A_147, %swap3A_148], %gather3A_130 {strides = array<i32>} : memref<8x2048xf32, #tpu.memory_space<vmem>>, vector<16xf32>,
        %swap3A_150 = arith.constant 4 : i32
        %swap3A_151 = arith.index_cast %swap3A_150 : i32 to index
        %swap3A_152 = arith.index_cast %mul3A_127 : i32 to index
        %swap3A_153 = tpu.vector_load %arg9[%swap3A_151, %swap3A_152] {strides = array<i32>} : memref<8x2048xf32, #tpu.memory_space<vmem>>, vector<16xf32>,
        tpu.vector_store %arg9[%swap3A_151, %swap3A_152], %gather3A_131 {strides = array<i32>} : memref<8x2048xf32, #tpu.memory_space<vmem>>, vector<16xf32>,
        %swap3A_154 = arith.constant 5 : i32
        %swap3A_155 = arith.index_cast %swap3A_154 : i32 to index
        %swap3A_156 = arith.index_cast %mul3A_127 : i32 to index
        %swap3A_157 = tpu.vector_load %arg9[%swap3A_155, %swap3A_156] {strides = array<i32>} : memref<8x2048xf32, #tpu.memory_space<vmem>>, vector<16xf32>,
        tpu.vector_store %arg9[%swap3A_155, %swap3A_156], %gather3A_132 {strides = array<i32>} : memref<8x2048xf32, #tpu.memory_space<vmem>>, vector<16xf32>,
        %swap3A_158 = arith.constant 6 : i32
        %swap3A_159 = arith.index_cast %swap3A_158 : i32 to index
        %swap3A_160 = arith.index_cast %mul3A_127 : i32 to index
        %swap3A_161 = tpu.vector_load %arg9[%swap3A_159, %swap3A_160] {strides = array<i32>} : memref<8x2048xf32, #tpu.memory_space<vmem>>, vector<16xf32>,
        tpu.vector_store %arg9[%swap3A_159, %swap3A_160], %gather3A_133 {strides = array<i32>} : memref<8x2048xf32, #tpu.memory_space<vmem>>, vector<16xf32>,
        %swap3A_162 = arith.constant 7 : i32
        %swap3A_163 = arith.index_cast %swap3A_162 : i32 to index
        %swap3A_164 = arith.index_cast %mul3A_127 : i32 to index
        %swap3A_165 = tpu.vector_load %arg9[%swap3A_163, %swap3A_164] {strides = array<i32>} : memref<8x2048xf32, #tpu.memory_space<vmem>>, vector<16xf32>,
        tpu.vector_store %arg9[%swap3A_163, %swap3A_164], %gather3A_134 {strides = array<i32>} : memref<8x2048xf32, #tpu.memory_space<vmem>>, vector<16xf32>,
        %mul3A_166 = arith.constant 2 : i32
        %mul3A_167 = arith.muli %scan3A_115, %mul3A_166 : i32
        %add3A_168 = arith.constant 1 : i32
        %add3A_169 = arith.addi %mul3A_167, %add3A_168 : i32
        %mul3A_170 = arith.constant 32 : i32
        %mul3A_171 = arith.muli %mul3A_170, %add3A_169 : i32
        %add3A_172 = arith.constant 0 : i32
        %add3A_173 = arith.addi %add3A_172, %mul3A_171 : i32
        %broadcast_in_dim3A_174 = vector.broadcast %add3A_173 : i32 to vector<16xi32>
        %add3A_175 = arith.addi %broadcast_in_dim3A_174, %mul3A_5 : vector<16xi32>
        %min3A_176 = arith.minsi %add3A_175, %broadcast_in_dim3A_6 : vector<16xi32>
        %mul3A_177 = arith.constant 16 : i32
        %mul3A_178 = arith.muli %add3A_169, %mul3A_177 : i32
        %gather3A_179 = tpu.vector_load_idx %arg7[%broadcast_in_dim3A_8, %min3A_176] : memref<8x4096xf32, #tpu.memory_space<vmem>>[vector<16xi32>, vector<16xi32>], vector<16xf32>,
        %gather3A_180 = tpu.vector_load_idx %arg7[%broadcast_in_dim3A_10, %min3A_176] : memref<8x4096xf32, #tpu.memory_space<vmem>>[vector<16xi32>, vector<16xi32>], vector<16xf32>,
        %gather3A_181 = tpu.vector_load_idx %arg7[%broadcast_in_dim3A_12, %min3A_176] : memref<8x4096xf32, #tpu.memory_space<vmem>>[vector<16xi32>, vector<16xi32>], vector<16xf32>,
        %gather3A_182 = tpu.vector_load_idx %arg7[%broadcast_in_dim3A_14, %min3A_176] : memref<8x4096xf32, #tpu.memory_space<vmem>>[vector<16xi32>, vector<16xi32>], vector<16xf32>,
        %gather3A_183 = tpu.vector_load_idx %arg7[%broadcast_in_dim3A_16, %min3A_176] : memref<8x4096xf32, #tpu.memory_space<vmem>>[vector<16xi32>, vector<16xi32>], vector<16xf32>,
        %gather3A_184 = tpu.vector_load_idx %arg7[%broadcast_in_dim3A_18, %min3A_176] : memref<8x4096xf32, #tpu.memory_space<vmem>>[vector<16xi32>, vector<16xi32>], vector<16xf32>,
        %gather3A_185 = tpu.vector_load_idx %arg7[%broadcast_in_dim3A_20, %min3A_176] : memref<8x4096xf32, #tpu.memory_space<vmem>>[vector<16xi32>, vector<16xi32>], vector<16xf32>,
        %gather3A_186 = tpu.vector_load_idx %arg7[%broadcast_in_dim3A_22, %min3A_176] : memref<8x4096xf32, #tpu.memory_space<vmem>>[vector<16xi32>, vector<16xi32>], vector<16xf32>,
        %swap3A_187 = arith.constant 0 : i32
        %swap3A_188 = arith.index_cast %swap3A_187 : i32 to index
        %swap3A_189 = arith.index_cast %mul3A_178 : i32 to index
        %swap3A_190 = tpu.vector_load %arg9[%swap3A_188, %swap3A_189] {strides = array<i32>} : memref<8x2048xf32, #tpu.memory_space<vmem>>, vector<16xf32>,
        tpu.vector_store %arg9[%swap3A_188, %swap3A_189], %gather3A_179 {strides = array<i32>} : memref<8x2048xf32, #tpu.memory_space<vmem>>, vector<16xf32>,
        %swap3A_191 = arith.constant 1 : i32
        %swap3A_192 = arith.index_cast %swap3A_191 : i32 to index
        %swap3A_193 = arith.index_cast %mul3A_178 : i32 to index
        %swap3A_194 = tpu.vector_load %arg9[%swap3A_192, %swap3A_193] {strides = array<i32>} : memref<8x2048xf32, #tpu.memory_space<vmem>>, vector<16xf32>,
        tpu.vector_store %arg9[%swap3A_192, %swap3A_193], %gather3A_180 {strides = array<i32>} : memref<8x2048xf32, #tpu.memory_space<vmem>>, vector<16xf32>,
        %swap3A_195 = arith.constant 2 : i32
        %swap3A_196 = arith.index_cast %swap3A_195 : i32 to index
        %swap3A_197 = arith.index_cast %mul3A_178 : i32 to index
        %swap3A_198 = tpu.vector_load %arg9[%swap3A_196, %swap3A_197] {strides = array<i32>} : memref<8x2048xf32, #tpu.memory_space<vmem>>, vector<16xf32>,
        tpu.vector_store %arg9[%swap3A_196, %swap3A_197], %gather3A_181 {strides = array<i32>} : memref<8x2048xf32, #tpu.memory_space<vmem>>, vector<16xf32>,
        %swap3A_199 = arith.constant 3 : i32
        %swap3A_200 = arith.index_cast %swap3A_199 : i32 to index
        %swap3A_201 = arith.index_cast %mul3A_178 : i32 to index
        %swap3A_202 = tpu.vector_load %arg9[%swap3A_200, %swap3A_201] {strides = array<i32>} : memref<8x2048xf32, #tpu.memory_space<vmem>>, vector<16xf32>,
        tpu.vector_store %arg9[%swap3A_200, %swap3A_201], %gather3A_182 {strides = array<i32>} : memref<8x2048xf32, #tpu.memory_space<vmem>>, vector<16xf32>,
        %swap3A_203 = arith.constant 4 : i32
        %swap3A_204 = arith.index_cast %swap3A_203 : i32 to index
        %swap3A_205 = arith.index_cast %mul3A_178 : i32 to index
        %swap3A_206 = tpu.vector_load %arg9[%swap3A_204, %swap3A_205] {strides = array<i32>} : memref<8x2048xf32, #tpu.memory_space<vmem>>, vector<16xf32>,
        tpu.vector_store %arg9[%swap3A_204, %swap3A_205], %gather3A_183 {strides = array<i32>} : memref<8x2048xf32, #tpu.memory_space<vmem>>, vector<16xf32>,
        %swap3A_207 = arith.constant 5 : i32
        %swap3A_208 = arith.index_cast %swap3A_207 : i32 to index
        %swap3A_209 = arith.index_cast %mul3A_178 : i32 to index
        %swap3A_210 = tpu.vector_load %arg9[%swap3A_208, %swap3A_209] {strides = array<i32>} : memref<8x2048xf32, #tpu.memory_space<vmem>>, vector<16xf32>,
        tpu.vector_store %arg9[%swap3A_208, %swap3A_209], %gather3A_184 {strides = array<i32>} : memref<8x2048xf32, #tpu.memory_space<vmem>>, vector<16xf32>,
        %swap3A_211 = arith.constant 6 : i32
        %swap3A_212 = arith.index_cast %swap3A_211 : i32 to index
        %swap3A_213 = arith.index_cast %mul3A_178 : i32 to index
        %swap3A_214 = tpu.vector_load %arg9[%swap3A_212, %swap3A_213] {strides = array<i32>} : memref<8x2048xf32, #tpu.memory_space<vmem>>, vector<16xf32>,
        tpu.vector_store %arg9[%swap3A_212, %swap3A_213], %gather3A_185 {strides = array<i32>} : memref<8x2048xf32, #tpu.memory_space<vmem>>, vector<16xf32>,
        %swap3A_215 = arith.constant 7 : i32
        %swap3A_216 = arith.index_cast %swap3A_215 : i32 to index
        %swap3A_217 = arith.index_cast %mul3A_178 : i32 to index
        %swap3A_218 = tpu.vector_load %arg9[%swap3A_216, %swap3A_217] {strides = array<i32>} : memref<8x2048xf32, #tpu.memory_space<vmem>>, vector<16xf32>,
        tpu.vector_store %arg9[%swap3A_216, %swap3A_217], %gather3A_186 {strides = array<i32>} : memref<8x2048xf32, #tpu.memory_space<vmem>>, vector<16xf32>,
      }
      %scan3A_103 = arith.constant 64 : i32
      %dma_start3A_104 = arith.constant 0 : i32
      %dma_start3A_105 = tpu.memref_slice %arg4[%add3A_86, %dma_start3A_104] : memref<16384x2048xf32, #tpu.memory_space<hbm>> -> memref<8x2048xf32, #tpu.memory_space<hbm>>
      %dma_start3A_106 = arith.constant 0 : i32
      %dma_start3A_107 = tpu.memref_slice %arg4[%add3A_86, %dma_start3A_106] : memref<16384x2048xf32, #tpu.memory_space<hbm>> -> memref<8x2048xf32, #tpu.memory_space<hbm>>
      tpu.enqueue_dma source(%arg9 : memref<8x2048xf32, #tpu.memory_space<vmem>>) target(%dma_start3A_107 : memref<8x2048xf32, #tpu.memory_space<hbm>>) target_semaphore(%arg13 : memref<!tpu.dma_semaphore, #tpu.memory_space<semaphore_mem>>)
      %add3A_108 = arith.constant 2 : i32
      %add3A_109 = arith.addi %add3A_83, %add3A_108 : i32
      %lt3A_110 = arith.constant 64 : i32
      %lt3A_111 = arith.cmpi slt, %add3A_109, %lt3A_110 : i32
      %convert_element_type3A_112 = arith.extui %lt3A_111 : i1 to i32
      %cond3A_113 = arith.constant 0 : i32
      %cond3A_114 = arith.cmpi ne, %convert_element_type3A_112, %cond3A_113 : i32
      scf.if %cond3A_114 {
        %add3A_115 = arith.constant 2 : i32
        %add3A_116 = arith.addi %add3A_83, %add3A_115 : i32
        %mul3A_117 = arith.constant 8 : i32
        %mul3A_118 = arith.muli %add3A_116, %mul3A_117 : i32
        %dma_start3A_119 = tpu.memref_slice %arg5[%mul3A_118] : memref<512xi32, #tpu.memory_space<vmem>> -> memref<8xi32, #tpu.memory_space<vmem>>
        %dma_start3A_120 = arith.constant 0 : i32
        %dma_start3A_121 = arith.constant 0 : i32
        %dma_start3A_122 = tpu.memref_slice %arg2[%dma_start3A_120, %dma_start3A_121] : memref<32768x4096xf32, #tpu.memory_space<hbm>> -> memref<32768x4096xf32, #tpu.memory_space<hbm>>
        tpu.enqueue_indirect_dma source(%dma_start3A_122 : memref<32768x4096xf32, #tpu.memory_space<hbm>>) target(%arg7 : memref<8x4096xf32, #tpu.memory_space<vmem>>) offsets(%dma_start3A_119 : memref<8xi32, #tpu.memory_space<vmem>>) semaphore(%arg11 : memref<!tpu.dma_semaphore, #tpu.memory_space<semaphore_mem>>)
      } else {
      }
    }
    %scan3A_36 = arith.constant 32 : i32
    %add3A_37 = arith.constant 496 : i32
    %add3A_38 = arith.addi %mul3A_2, %add3A_37 : i32
    %dma_wait3A = arith.constant 0 : i32
    %dma_wait3A_39 = tpu.memref_slice %arg4[%add3A_38, %dma_wait3A] : memref<16384x2048xf32, #tpu.memory_space<hbm>> -> memref<8x2048xf32, #tpu.memory_space<hbm>>
    %dma_wait3A_40 = arith.constant 0 : i32
    %dma_wait3A_41 = tpu.memref_slice %arg4[%add3A_38, %dma_wait3A_40] : memref<16384x2048xf32, #tpu.memory_space<hbm>> -> memref<8x2048xf32, #tpu.memory_space<hbm>>
    tpu.wait_dma2 semaphore(%arg12 : memref<!tpu.dma_semaphore, #tpu.memory_space<semaphore_mem>>) src(%arg8 : memref<8x2048xf32, #tpu.memory_space<vmem>>) dst(%dma_wait3A_41 : memref<8x2048xf32, #tpu.memory_space<hbm>>)
    %add3A_42 = arith.constant 504 : i32
    %add3A_43 = arith.addi %mul3A_2, %add3A_42 : i32
    %dma_wait3A_44 = arith.constant 0 : i32
    %dma_wait3A_45 = tpu.memref_slice %arg4[%add3A_43, %dma_wait3A_44] : memref<16384x2048xf32, #tpu.memory_space<hbm>> -> memref<8x2048xf32, #tpu.memory_space<hbm>>
    %dma_wait3A_46 = arith.constant 0 : i32
    %dma_wait3A_47 = tpu.memref_slice %arg4[%add3A_43, %dma_wait3A_46] : memref<16384x2048xf32, #tpu.memory_space<hbm>> -> memref<8x2048xf32, #tpu.memory_space<hbm>>
    tpu.wait_dma2 semaphore(%arg13 : memref<!tpu.dma_semaphore, #tpu.memory_space<semaphore_mem>>) src(%arg9 : memref<8x2048xf32, #tpu.memory_space<vmem>>) dst(%dma_wait3A_47 : memref<8x2048xf32, #tpu.memory_space<hbm>>)
    return
  }
}

</mosaic_0001>

<sc_bundles>
// kernel: kernel.3.cloned.1.call-start
scs
__scs_entry_jumppad:
0x0: {  	(pc) =	sbr.rel $0x88, $3  }
0x1: {  	(tag) =	ssettag $0x0;
	lr =	simm.s32 $0x1  }
0x2: {  	[smem:$0x3FA0] =	sst lr;
	_ =	strace $0xD0000000  }
0x3: {  	_ = 	snop  }
0x4: {  	_ = 	snop  }
0x5: {  	_ = 	snop  }
0x6: {  	_ = 	snop  }
0x7: {  	_ = 	snop  }
__scs_overlays_trampoline_lowered:
0x8: {  	[smem:$0x3FAF] =	sst s0  }
0x9: {  	[smem:$0x3FB0] =	sst s1  }
0xa: {  	[smem:$0x3FB1] =	sst s2  }
0xb: {  	[smem:$0x3FB2] =	sst s3  }
0xc: {  	[smem:$0x3FB3] =	sst s4  }
0xd: {  	[smem:$0x3FB4] =	sst s5  }
0xe: {  	[smem:$0x3FB5] =	sst s6  }
0xf: {  	[smem:$0x3FB6] =	sst s7  }
0x10: {  	[smem:$0x3FB7] =	sst s8  }
0x11: {  	[smem:$0x3FB8] =	sst s9;
	s0 =	simm.s32 @!p0 $0x0  }
0x12: {  	s1 =	sld [smem:$0x3F9E];
	s0 =	simm.s32 @p0 $0x1  }
0x13: {  	[smem:$0x3FB9] =	sst s0;
	s0 =	simm.s32 @!p1 $0x0  }
0x14: {  	s2 =	sld [smem:$0x3F9D];
	s0 =	simm.s32 @p1 $0x1  }
0x15: {  	[smem:$0x3FBA] =	sst s0;
	s0 =	simm.s32 @!p2 $0x0  }
0x16: {  	s3 =	sld [smem:$0x3FDB];
	s0 =	simm.s32 @p2 $0x1  }
0x17: {  	s4 =	simm.s32 $0x1BF5;
	[smem:$0x3FBC] =	sst s0  }
0x18: {  	s0 =	sld [smem:$0x3F9F];
	_ =	swait.ge [sflag:s4], $0x0  }
0x19: {  	s7 =	sld [smem:$0x3FA0]  }
0x1a: {  	s8 =	sadd.s32 $0xFFFFE003, lr  }
0x1b: {  	s9 =	sadd.s32 $0xFFFFFEF7, lr;
	s5 =	simm.s32 $0xFFFFFFFF;
	p2 =	slt.u32 s8, $0xFFFFF086  }
0x1c: {  	p1 =	slt.u32 s9, $0xF7A;
	s5 =	simm.s32 @!p2 $0x0  }
0x1d: {  	s5 =	simm.s32 @p1 $0x1;
	p0 =	seq.s32 s7, s2  }
0x1e: {  	s7 =	smul.u32 @!p0 $0xF7A, s2;
	p2 =	seq.s32 @!p0 s5, $0x0  }
0x1f: {  	s9 =	smul.u32 $0xF7A, s1;
	s8 =	simm.s32 @!p0 $0x1BF5;
	p2 =	por !p2, p0  }
0x20: {  	[sflag:s8] =	ssyncset.s32 @!p0 $0xFFFFF086;
	s6 =	sadd.s32 @!p0 s3, s7;
	s7 =	simm.s32 @!p0 $0x108  }
0x21: {  	s3 =	sadd.s32 s3, s9;
	s6 =	sadd.s32 @!p0 $0x88, s6;
	s7 =	simm.s32 @p2 $0x1082  }
0x22: {  	[simem:s7], [sflag:s8] =	dma.local @!p0 [hbm:s6], $0xF7A  }
0x23: {  	s9 =	sor.u32 $0xD0000000, s2;
	s6 =	simm.s32 $0x108;
	_ =	swait.ge @!p0 [sflag:s8], $0x0  }
0x24: {  	s3 =	sadd.s32 $0x88, s3;
	s6 =	simm.s32 @!p1 $0x1082;
	[sflag:s4] =	ssyncset.s32 $0xFFFFF086  }
0x25: {  	[simem:s6], [sflag:s4] =	dma.local [hbm:s3], $0xF7A  }
0x26: {  	[smem:$0x3FA0] =	sst s1;
	(tag) =	ssettag s2;
	_ =	strace s9  }
0x27: {  	s1 =	sld [smem:$0x3FB0]  }
0x28: {  	s2 =	sld [smem:$0x3FB1]  }
0x29: {  	s4 =	sld [smem:$0x3FB3]  }
0x2a: {  	p0 =	seq.s32 s5, $0x0;
	s5 =	sld [smem:$0x3FB4]  }
0x2b: {  	s6 =	sld [smem:$0x3FB5]  }
0x2c: {  	s7 =	sld [smem:$0x3FB6]  }
0x2d: {  	s3 =	simm.s32 $0x108;
	s8 =	sld [smem:$0x3FB7]  }
0x2e: {  	s3 =	simm.s32 @!p0 $0x1082;
	s9 =	sld [smem:$0x3FB8]  }
0x2f: {  	lr =	sadd.s32 s0, s3;
	s0 =	sld [smem:$0x3FAF]  }
0x30: {  	s3 =	sld [smem:$0x3FB2]  }
0x31: {  	[smem:$0x3FBB] =	sst s10  }
0x32: {  	s10 =	sld [smem:$0x3FB9];
	_ =	sdelay $0x3  }
0x33: {  	p0 =	seq.s32 s10, $0x1;
	s10 =	sld [smem:$0x3FBB];
	_ =	sdelay $0x3  }
0x34: {  	[smem:$0x3FBB] =	sst s10  }
0x35: {  	s10 =	sld [smem:$0x3FBA];
	_ =	sdelay $0x3  }
0x36: {  	p1 =	seq.s32 s10, $0x1;
	s10 =	sld [smem:$0x3FBB];
	_ =	sdelay $0x3  }
0x37: {  	[smem:$0x3FBB] =	sst s10  }
0x38: {  	s10 =	sld [smem:$0x3FBC]  }
0x39: {  	_ = 	snop;
	(pc) =	sbr.ind lr, $3  }
0x3a: {  	_ = 	snop  }
0x3b: {  	_ = 	snop  }
0x3c: {  	p2 =	seq.s32 s10, $0x1;
	s10 =	sld [smem:$0x3FBB]  }
0x3d: {  	_ =	shalt  }
0x3e: {  	_ =	shalt  }
0x3f: {  	_ =	shalt  }
0x40: {  	_ =	shalt  }
0x41: {  	_ =	shalt  }
0x42: {  	_ =	shalt  }
0x43: {  	_ =	shalt  }
0x44: {  	_ =	shalt  }
0x45: {  	_ =	shalt  }
0x46: {  	_ =	shalt  }
0x47: {  	_ =	shalt  }
0x48: {  	_ =	shalt  }
0x49: {  	_ =	shalt  }
0x4a: {  	_ =	shalt  }
0x4b: {  	_ =	shalt  }
0x4c: {  	_ =	shalt  }
0x4d: {  	_ =	shalt  }
0x4e: {  	_ =	shalt  }
0x4f: {  	_ =	shalt  }
0x50: {  	_ =	shalt  }
0x51: {  	_ =	shalt  }
0x52: {  	_ =	shalt  }
0x53: {  	_ =	shalt  }
0x54: {  	_ =	shalt  }
0x55: {  	_ =	shalt  }
0x56: {  	_ =	shalt  }
0x57: {  	_ =	shalt  }
0x58: {  	_ =	shalt  }
0x59: {  	_ =	shalt  }
0x5a: {  	_ =	shalt  }
0x5b: {  	_ =	shalt  }
0x5c: {  	_ =	shalt  }
0x5d: {  	_ =	shalt  }
0x5e: {  	_ =	shalt  }
0x5f: {  	_ =	shalt  }
0x60: {  	_ =	shalt  }
0x61: {  	_ =	shalt  }
0x62: {  	_ =	shalt  }
0x63: {  	_ =	shalt  }
0x64: {  	_ =	shalt  }
0x65: {  	_ =	shalt  }
0x66: {  	_ =	shalt  }
0x67: {  	_ =	shalt  }
0x68: {  	_ =	shalt  }
0x69: {  	_ =	shalt  }
0x6a: {  	_ =	shalt  }
0x6b: {  	_ =	shalt  }
0x6c: {  	_ =	shalt  }
0x6d: {  	_ =	shalt  }
0x6e: {  	_ =	shalt  }
0x6f: {  	_ =	shalt  }
0x70: {  	_ =	shalt  }
0x71: {  	_ =	shalt  }
0x72: {  	_ =	shalt  }
0x73: {  	_ =	shalt  }
0x74: {  	_ =	shalt  }
0x75: {  	_ =	shalt  }
0x76: {  	_ =	shalt  }
0x77: {  	_ =	shalt  }
0x78: {  	_ =	shalt  }
0x79: {  	_ =	shalt  }
0x7a: {  	_ =	shalt  }
0x7b: {  	_ =	shalt  }
0x7c: {  	_ =	shalt  }
0x7d: {  	_ =	shalt  }
0x7e: {  	_ =	shalt  }
0x7f: {  	_ =	shalt  }
0x80: {  	_ =	shalt  }
0x81: {  	_ =	shalt  }
0x82: {  	_ =	shalt  }
0x83: {  	_ =	shalt  }
0x84: {  	_ =	shalt  }
0x85: {  	_ =	shalt  }
0x86: {  	_ =	shalt  }
0x87: {  	_ =	shalt  }
.Lfunc_end0:
.L_simem_size_0:
called_computation_lowered:
.L_overlay_start_0:
0x88: {  	s2 =	sld [smem:$0x3FD9]  }
0x89: {  	s3 =	sld [smem:$0x3FFE];
	_ =	sdelay $0x1  }
0x8a: {  	s1 =	srdreg.scid  }
0x8b: {  	s0 =	sand.u32 $0x1, s1  }
0x8c: {  	s17 =	sshll.u32 s0, $0xA;
	s2 =	sadd.s32 s3, s2  }
0x8d: {  	s2 =	sadd.s32 s2, s17  }
0x8e: {  	[smem:$0x3FC7] =	sst s2  }
0x8f: {  	_ = 	snop  }
0x90: {  	s2 =	sld [smem:$0x3FC9]  }
0x91: {  	s18 =	sld [smem:$0x3FD0];
	(tm) =	ssettm $0x1  }
0x92: {  	s4 =	sld [smem:$0x3FFB];
	_ =	sdelay $0x3  }
0x93: {  	_ =	strace s4  }
0x94: {  	s4 =	sld [smem:$0x3FFC];
	_ =	sdelay $0x3  }
0x95: {  	_ =	strace s4  }
0x96: {  	s4 =	sld [smem:$0x3FFD];
	_ =	sdelay $0x3  }
0x97: {  	_ =	strace s4  }
0x98: {  	_ =	strace $0x8FFFFFFF  }
0x99: {  	s19 =	sld [smem:$0x3FDB];
	_ =	sdelay $0x1  }
0x9a: {  	s5 =	simm.s32 $_scs_section_size  }
0x9b: {  	s6 =	simm.s32 $_size__tile_overlayer_lowered;
	s7 =	simm.s32 $_tile_overlayer_lowered  }
0x9c: {  	s22 =	simm.s32 $0x1BFF;
	s21 =	sshll.u32 s7, $0x1;
	s4 =	sadd.s32 s5, s19  }
0x9d: {  	s8 =	simm.s32 $0x0;
	s20 =	sshll.u32 s6, $0x1;
	s6 =	sadd.s32 s21, s4  }
0x9e: {  	[timem:s8], [sflag:s22] =	dma.local [hbm:s6], s20  }
0x9f: {  	_ =	swait.ge [sflag:s22], s20  }
0xa0: {  	s5 =	ssub.s32 $0x0, s20;
	[sflag:s22] =	ssyncset.done $0x0  }
0xa1: {  	[sflag:s22] =	ssyncadd.s32 s5;
	_ =	sdelay $0x1  }
0xa2: {  	s23 =	simm.s32 $0x1B8B  }
0xa3: {  	_ =	swait.ge [sflag:s23], $0x1  }
0xa4: {  	[sflag:s23] =	ssyncset.done $0x0  }
0xa5: {  	s25 =	simm.s32 $0x1B8E;
	s24 =	sld [smem:$0x3FFE];
	[sflag:s23] =	ssyncadd.s32 $0xFFFFFFFF  }
0xa6: {  	s26 =	simm.s32 $execute0_lowered;
	[smem:$0x3FD2] =	sst s25  }
0xa7: {  	s6 =	sshll.u32 s26, $0x1;
	_ =	strace $0x80000046;
	[dreg:$0x1] =	wrdreg $0xFFFFFFFF  }
0xa8: {  	s28 =	simm.s32 $_size_execute0_lowered;
	s4 =	sadd.s32 s4, s6;
	[dreg:$0x0] =	wrdreg $0x0  }
0xa9: {  	s6 =	sshll.u32 s28, $0x1;
	[dreg:$0x2] =	wrdreg s4  }
0xaa: {  	[dreg:$0x3] =	wrdreg s6  }
0xab: {  	[dreg:$0x4] =	wrdreg $0xC0  }
0xac: {  	_ =	task [dreg:s8], $0x5FFFF  }
0xad: {  	[dreg:$0x1] =	wrdreg $0xFFFFFFFF  }
0xae: {  	[dreg:$0x0] =	wrdreg $0x60  }
0xaf: {  	[dreg:$0x2] =	wrdreg s2  }
0xb0: {  	[dreg:$0x3] =	wrdreg s24  }
0xb1: {  	[dreg:$0x4] =	wrdreg s18  }
0xb2: {  	[dreg:$0x5] =	wrdreg $0x9  }
0xb3: {  	_ =	task.clear_ibuf [dreg:s8], $0x6FFFF;
	_ =	strace $0x90000046  }
0xb4: {  	s29 =	simm.s32 $0x9;
	_ =	strace $0x80000048  }
0xb5: {  	_ =	swait.ge [sflag:s29], $0x1  }
0xb6: {  	[sflag:s29] =	ssyncadd.s32 $0xFFFFFFFF  }
0xb7: {  	_ =	strace $0x90000048  }
0xb8: {  	_ =	sfence  }
0xb9: {  	s30 =	sld [smem:$0x0];
	_ =	sdelay $0x2  }
0xba: {  	s31 =	sshll.u32 s1, $0xD;
	s1 =	sshrl.u32 s1, $0x2  }
0xbb: {  	s3 =	sand.u32 $0x4000, s31;
	s1 =	sadd.s32 s1, s30  }
0xbc: {  	s0 =	sor.u32 s3, s0;
	s1 =	sshll.u32 s1, $0x11  }
0xbd: {  	s0 =	sor.u32 s1, s0  }
0xbe: {  	s0 =	sadd.s32 $0x8F2B, s0  }
0xbf: {  	[sflag:s0] =	ssyncadd.remote.s32 $0x1  }
0xc0: {  	_ =	sfence.sel $0xFFFF  }
0xc1: {  	[dreg:$0x0] =	wrdreg $0xFFFFFFFF;
	(pc) =	sbr.abs _section_cstart, $3  }
0xc2: {  	[dreg:$0x1] =	wrdreg $0xFFFFFFFF  }
0xc3: {  	_ =	task.clear_ibuf [dreg:s8], $0x2FFFF;
	_ =	strace $0x9FFFFFFF  }
0xc4: {  	(tm) =	ssettm $0x7FFFFFFF  }
0xc5: {  	_ =	shalt  }
tec
execute0_lowered:
.L_overlay_start_1:
0x0: {  	(tag) =	ssettag $0x1  }
0x1: {  	s7 =	rddreg [dreg:$0x0];
	s0 =	srdreg.scid  }
0x2: {  	s1 =	rddreg [dreg:$0x1];
	s2 =	stileid.u32  }
0x3: {  	s5 =	rddreg [dreg:$0x2];
	s4 =	simm.s32 $0x0;
	s31 =	simm.s32 $0x8200  }
0x4: {  	s0 =	sand.u32 $0x1, s0;
	s2 =	sshll.u32 s2, $0xA;
	[smem:$0x7FF] =	sst s4  }
0x5: {  	s25 =	sadd.s32 $0x100, s7;
	s26 =	sadd.s32 $0x200, s7;
	s8 =	sadd.s32 $0x300, s7  }
0x6: {  	s9 =	sadd.s32 $0x400, s7;
	s10 =	sadd.s32 $0x500, s7;
	s11 =	sadd.s32 $0x600, s7  }
0x7: {  	s12 =	sadd.s32 $0x700, s7;
	s13 =	sadd.s32 $0x800, s7;
	s14 =	sadd.s32 $0x900, s7  }
0x8: {  	s15 =	sadd.s32 $0xA00, s7;
	s16 =	sadd.s32 $0xB00, s7;
	s17 =	sadd.s32 $0xC00, s7  }
0x9: {  	s18 =	sadd.s32 $0xD00, s7;
	s19 =	sadd.s32 $0xE00, s7;
	s3 =	sshll.u32 s0, $0x9  }
0xa: {  	s0 =	ssub.s32 $0x2, s0;
	_ =	strace $0x80000047;
	[dreg:$0x5] =	wrdreg s25  }
0xb: {  	[dreg:$0x6] =	wrdreg s26;
	s2 =	sor.u32 s3, s2;
	s24 =	sshrl.u32 s0, $0x1  }
0xc: {  	s3 =	sshrl.u32 s2, $0x3;
	s0 =	ssub.s32 s0, s24;
	s29 =	sor.u32 $0x8, s2  }
.Ltmp0:
0xd: {  	s30 =	sor.u32 $0x1F8, s2;
	[dreg:$0x7] =	wrdreg s29;
	(pc) =	sbr.rel .LBB2_1-.Ltmp0, $4  }
0xe: {  	s1 =	sadd.s32 s3, s1;
	[dreg:$0x9] =	wrdreg s30;
	s0 =	smax.u32 s0, $0x1  }
0xf: {  	v2 =	vlaneseq.u32;
	s28 =	sshll.u32 s2, $0x8;
	s1 =	sadd.s32 $0x400, s1;
	[dreg:$0xa] =	wrdreg s0  }
0x10: {  	vm0 =	vmmov $0xffff;
	s20 =	sadd.s32 $0xF00, s7;
	v1 =	vshrl.u32 v2, $0x3;
	[dreg:$0x4] =	wrdreg s1;
	s1 =	sadd.s32 s5, s28  }
0x11: {  	v0 =	vand.u32 $0x7, v2;
	v2 =	vmul.u32 $0x2, v2;
	s26 =	simm.s32 $0x200;
	v1 =	vmul.u32 $0x8, v1;
	s2 =	simm.s32 $0x0;
	[dreg:$0x8] =	wrdreg s1  }
.LBB2_10:
0x12: {  	s0 =	simm.s32 $0x3  }
0x13: {  	_ =	swait.ge [sflag:s0], $0x4000  }
0x14: {  	[sflag:s0] =	ssyncset.done $0x0  }
0x15: {  	s1 =	simm.s32 $0x4;
	[sflag:s0] =	ssyncadd.s32 $0xFFFFC000  }
0x16: {  	_ =	swait.ge [sflag:s1], $0x4000  }
0x17: {  	s2 =	rddreg [dreg:$0xb]  }
0x18: {  	s30 =	rddreg [dreg:$0xa];
	s2 =	sadd.s32 $0x1, s2  }
0x19: {  	p0 =	sne.s32 s2, s30  }
.Ltmp1:
0x1a: {  	_ = 	snop;
	(pc) =	sbr.rel @!p0 .LBB2_11-.Ltmp1, $4  }
0x1b: {  	_ = 	snop  }
0x1c: {  	[sflag:s1] =	ssyncset.done $0x0  }
0x1d: {  	[sflag:s1] =	ssyncadd.s32 $0xFFFFC000  }
0x1e: {  	s7 =	rddreg [dreg:$0x0]  }
.LBB2_1:
0x1f: {  	[dreg:$0xb] =	wrdreg s2  }
0x20: {  	s0 =	rddreg [dreg:$0x4];
	s6 =	simm.s32 $0x5  }
0x21: {  	[tilespmem:s4], [sflag:$0x5] =	stream.linear.gather [hbm4b:s0+s4], $0x200, $0x38;
	[tilespmem:$0x18200] =	vst v63  }
0x22: {  	_ =	swait.ge [sflag:s6], $0x200  }
0x23: {  	[sflag:s6] =	ssyncset.done $0x0  }
0x24: {  	[sflag:s6] =	ssyncadd.s32 $0xFFFFFE00  }
0x25: {  	v3 =	vld.msk [tilespmem:$0x0], $0xff;
	_ =	sdelay $0x4  }
0x26: {  	v4 =	vshll.u32 v3, $0x5  }
0x27: {  	v3 =	vand.u32 $0x7, v3;
	v4 =	vand.u32 $0xFFFFFF00, v4  }
0x28: {  	v3 =	vor.u32 v3, v4  }
0x29: {  	v3 =	vperm.xlane v3, v0;
	_ =	sdelay $0x1  }
0x2a: {  	v3 =	vadd.s32 v1, v3;
	_ =	sdelay $0x4  }
0x2b: {  	[tilespmem:s26], [sflag:$0x1] =	stream.indirect_vreg.gather [hbm4b:s7+s4], $0x80, v3, vm0, $0xb8;
	[tilespmem:$0x18200] =	vst v63  }
0x2c: {  	s1 =	simm.s32 $0xA00;
	s0 =	rddreg [dreg:$0x5]  }
0x2d: {  	[tilespmem:s1], [sflag:$0x1] =	stream.indirect_vreg.gather [hbm4b:s0+s4], $0x80, v3, vm0, $0xb8;
	[tilespmem:$0x18200] =	vst v63  }
0x2e: {  	s21 =	simm.s32 $0x1200;
	s1 =	rddreg [dreg:$0x6]  }
0x2f: {  	[tilespmem:s21], [sflag:$0x1] =	stream.indirect_vreg.gather [hbm4b:s1+s4], $0x80, v3, vm0, $0xb8;
	[tilespmem:$0x18200] =	vst v63  }
0x30: {  	s22 =	simm.s32 $0x1A00  }
0x31: {  	[tilespmem:s22], [sflag:$0x1] =	stream.indirect_vreg.gather [hbm4b:s8+s4], $0x80, v3, vm0, $0xb8;
	[tilespmem:$0x18200] =	vst v63  }
0x32: {  	s23 =	simm.s32 $0x2200  }
0x33: {  	[tilespmem:s23], [sflag:$0x1] =	stream.indirect_vreg.gather [hbm4b:s9+s4], $0x80, v3, vm0, $0xb8;
	[tilespmem:$0x18200] =	vst v63  }
0x34: {  	s24 =	simm.s32 $0x2A00  }
0x35: {  	[tilespmem:s24], [sflag:$0x1] =	stream.indirect_vreg.gather [hbm4b:s10+s4], $0x80, v3, vm0, $0xb8;
	[tilespmem:$0x18200] =	vst v63  }
0x36: {  	s25 =	simm.s32 $0x3200  }
0x37: {  	[tilespmem:s25], [sflag:$0x1] =	stream.indirect_vreg.gather [hbm4b:s11+s4], $0x80, v3, vm0, $0xb8;
	[tilespmem:$0x18200] =	vst v63  }
0x38: {  	s29 =	simm.s32 $0x3A00  }
0x39: {  	[tilespmem:s29], [sflag:$0x1] =	stream.indirect_vreg.gather [hbm4b:s12+s4], $0x80, v3, vm0, $0xb8;
	[tilespmem:$0x18200] =	vst v63  }
0x3a: {  	s30 =	simm.s32 $0x4200  }
0x3b: {  	[tilespmem:s30], [sflag:$0x1] =	stream.indirect_vreg.gather [hbm4b:s13+s4], $0x80, v3, vm0, $0xb8;
	[tilespmem:$0x18200] =	vst v63  }
0x3c: {  	s3 =	simm.s32 $0x4A00  }
0x3d: {  	[tilespmem:s3], [sflag:$0x1] =	stream.indirect_vreg.gather [hbm4b:s14+s4], $0x80, v3, vm0, $0xb8;
	[tilespmem:$0x18200] =	vst v63  }
0x3e: {  	s5 =	simm.s32 $0x5200  }
0x3f: {  	[tilespmem:s5], [sflag:$0x1] =	stream.indirect_vreg.gather [hbm4b:s15+s4], $0x80, v3, vm0, $0xb8;
	[tilespmem:$0x18200] =	vst v63  }
0x40: {  	s6 =	simm.s32 $0x5A00  }
0x41: {  	[tilespmem:s6], [sflag:$0x1] =	stream.indirect_vreg.gather [hbm4b:s16+s4], $0x80, v3, vm0, $0xb8;
	[tilespmem:$0x18200] =	vst v63  }
0x42: {  	s21 =	simm.s32 $0x6200  }
0x43: {  	[tilespmem:s21], [sflag:$0x1] =	stream.indirect_vreg.gather [hbm4b:s17+s4], $0x80, v3, vm0, $0xb8;
	[tilespmem:$0x18200] =	vst v63  }
0x44: {  	s22 =	simm.s32 $0x6A00  }
0x45: {  	[tilespmem:s22], [sflag:$0x1] =	stream.indirect_vreg.gather [hbm4b:s18+s4], $0x80, v3, vm0, $0xb8;
	[tilespmem:$0x18200] =	vst v63  }
0x46: {  	s23 =	simm.s32 $0x7200  }
0x47: {  	[tilespmem:s23], [sflag:$0x1] =	stream.indirect_vreg.gather [hbm4b:s19+s4], $0x80, v3, vm0, $0xb8;
	[tilespmem:$0x18200] =	vst v63  }
0x48: {  	s24 =	simm.s32 $0x7A00  }
0x49: {  	[tilespmem:s24], [sflag:$0x1] =	stream.indirect_vreg.gather [hbm4b:s20+s4], $0x80, v3, vm0, $0xb8;
	[tilespmem:$0x18200] =	vst v63  }
0x4a: {  	v3 =	vld.msk [tilespmem:$0x8], $0xff;
	_ =	sdelay $0x4  }
0x4b: {  	v63 =	vshll.u32 v3, $0x5  }
0x4c: {  	v3 =	vand.u32 $0x7, v3;
	v4 =	vand.u32 $0xFFFFFF00, v63  }
0x4d: {  	v3 =	vor.u32 v3, v4  }
0x4e: {  	v3 =	vperm.xlane v3, v0;
	_ =	sdelay $0x1  }
0x4f: {  	v3 =	vadd.s32 v1, v3;
	_ =	sdelay $0x4  }
0x50: {  	[tilespmem:s31], [sflag:$0x2] =	stream.indirect_vreg.gather [hbm4b:s7+s4], $0x80, v3, vm0, $0xb8;
	[tilespmem:$0x18200] =	vst v63  }
0x51: {  	s25 =	simm.s32 $0x8A00  }
0x52: {  	[tilespmem:s25], [sflag:$0x2] =	stream.indirect_vreg.gather [hbm4b:s0+s4], $0x80, v3, vm0, $0xb8;
	[tilespmem:$0x18200] =	vst v63  }
0x53: {  	s29 =	simm.s32 $0x9200  }
0x54: {  	[tilespmem:s29], [sflag:$0x2] =	stream.indirect_vreg.gather [hbm4b:s1+s4], $0x80, v3, vm0, $0xb8;
	[tilespmem:$0x18200] =	vst v63  }
0x55: {  	s30 =	simm.s32 $0x9A00  }
0x56: {  	[tilespmem:s30], [sflag:$0x2] =	stream.indirect_vreg.gather [hbm4b:s8+s4], $0x80, v3, vm0, $0xb8;
	[tilespmem:$0x18200] =	vst v63  }
0x57: {  	s1 =	simm.s32 $0xA200  }
0x58: {  	[tilespmem:s1], [sflag:$0x2] =	stream.indirect_vreg.gather [hbm4b:s9+s4], $0x80, v3, vm0, $0xb8;
	[tilespmem:$0x18200] =	vst v63  }
0x59: {  	s2 =	simm.s32 $0xAA00  }
0x5a: {  	[tilespmem:s2], [sflag:$0x2] =	stream.indirect_vreg.gather [hbm4b:s10+s4], $0x80, v3, vm0, $0xb8;
	[tilespmem:$0x18200] =	vst v63  }
0x5b: {  	s3 =	simm.s32 $0xB200  }
0x5c: {  	[tilespmem:s3], [sflag:$0x2] =	stream.indirect_vreg.gather [hbm4b:s11+s4], $0x80, v3, vm0, $0xb8;
	[tilespmem:$0x18200] =	vst v63  }
0x5d: {  	s5 =	simm.s32 $0xBA00  }
0x5e: {  	[tilespmem:s5], [sflag:$0x2] =	stream.indirect_vreg.gather [hbm4b:s12+s4], $0x80, v3, vm0, $0xb8;
	[tilespmem:$0x18200] =	vst v63  }
0x5f: {  	s6 =	simm.s32 $0xC200  }
0x60: {  	[tilespmem:s6], [sflag:$0x2] =	stream.indirect_vreg.gather [hbm4b:s13+s4], $0x80, v3, vm0, $0xb8;
	[tilespmem:$0x18200] =	vst v63  }
0x61: {  	s21 =	simm.s32 $0xCA00  }
0x62: {  	[tilespmem:s21], [sflag:$0x2] =	stream.indirect_vreg.gather [hbm4b:s14+s4], $0x80, v3, vm0, $0xb8;
	[tilespmem:$0x18200] =	vst v63  }
0x63: {  	s22 =	simm.s32 $0xD200  }
0x64: {  	[tilespmem:s22], [sflag:$0x2] =	stream.indirect_vreg.gather [hbm4b:s15+s4], $0x80, v3, vm0, $0xb8;
	[tilespmem:$0x18200] =	vst v63  }
0x65: {  	s23 =	simm.s32 $0xDA00  }
0x66: {  	[tilespmem:s23], [sflag:$0x2] =	stream.indirect_vreg.gather [hbm4b:s16+s4], $0x80, v3, vm0, $0xb8;
	[tilespmem:$0x18200] =	vst v63  }
0x67: {  	s24 =	simm.s32 $0xE200  }
0x68: {  	[tilespmem:s24], [sflag:$0x2] =	stream.indirect_vreg.gather [hbm4b:s17+s4], $0x80, v3, vm0, $0xb8;
	[tilespmem:$0x18200] =	vst v63  }
0x69: {  	s25 =	simm.s32 $0xEA00  }
0x6a: {  	[tilespmem:s25], [sflag:$0x2] =	stream.indirect_vreg.gather [hbm4b:s18+s4], $0x80, v3, vm0, $0xb8;
	[tilespmem:$0x18200] =	vst v63  }
0x6b: {  	s29 =	simm.s32 $0xF200  }
0x6c: {  	[tilespmem:s29], [sflag:$0x2] =	stream.indirect_vreg.gather [hbm4b:s19+s4], $0x80, v3, vm0, $0xb8;
	[tilespmem:$0x18200] =	vst v63  }
0x6d: {  	s28 =	simm.s32 $0x0;
	s30 =	simm.s32 $0xFA00  }
0x6e: {  	[tilespmem:s30], [sflag:$0x2] =	stream.indirect_vreg.gather [hbm4b:s20+s4], $0x80, v3, vm0, $0xb8;
	[tilespmem:$0x18200] =	vst v63  }
.LBB2_2:
0x6f: {  	s30 =	simm.s32 $0x0  }
0x70: {  	p0 =	seq.s32 s28, $0x0;
	v3 =	vmov s30;
	v4 =	vor.u32 s30, v2  }
0x71: {  	s0 =	simm.s32 @!p0 $0x3;
	v4 =	vand.u32 $0x5E, v4;
	v3 =	vshll.u32 v3, $0x3  }
0x72: {  	_ =	swait.ge @!p0 [sflag:s0], $0x4000;
	v5 =	vor.u32 v3, v4  }
0x73: {  	[sflag:s0] =	ssyncset.done @!p0 $0x0;
	v3 =	vand.u32 $0x7C00, v3;
	v6 =	vor.u32 $0x280, v5  }
0x74: {  	s5 =	simm.s32 $0x1;
	[sflag:s0] =	ssyncadd.s32 @!p0 $0xFFFFC000;
	v3 =	vor.u32 v4, v3  }
0x75: {  	v4 =	vor.u32 $0x300, v5;
	_ =	swait.ge [sflag:s5], $0x8000  }
0x76: {  	v7 =	vor.u32 $0x380, v5;
	[sflag:s5] =	ssyncset.done $0x0  }
0x77: {  	v5 =	vor.u32 $0x200, v5;
	[sflag:s5] =	ssyncadd.s32 $0xFFFF8000  }
0x78: {  	v8 =	vor.u32 $0x180, v3;
	v6 =	vld.idx.msk [tilespmem:v6+s26+$0x0], $0xffff  }
0x79: {  	v9 =	vor.u32 $0x80, v3;
	v10 =	vld.idx.msk [tilespmem:v3+s26+$0x0], $0xffff  }
0x7a: {  	v3 =	vor.u32 $0x100, v3;
	v11 =	vld.idx.msk [tilespmem:v4+s26+$0x0], $0xffff  }
0x7b: {  	v7 =	vld.idx.msk [tilespmem:v7+s26+$0x0], $0xffff  }
0x7c: {  	s6 =	simm.s32 $0x0;
	s1 =	sand.u32 $0x3C00, s30;
	v4 =	vld.idx.msk [tilespmem:v5+s26+$0x0], $0xffff  }
0x7d: {  	s2 =	sand.u32 $0x60, s6;
	s0 =	sor.u32 $0x10200, s1;
	v5 =	vld.idx.msk [tilespmem:v8+s26+$0x0], $0xffff  }
0x7e: {  	s21 =	simm.s32 $0x20;
	s1 =	sor.u32 s2, s0;
	v8 =	vld.idx.msk [tilespmem:v9+s26+$0x0], $0xffff  }
0x7f: {  	v9 =	vmov s21;
	v3 =	vld.idx.msk [tilespmem:v3+s26+$0x0], $0xffff;
	[tilespmem:s1+$0x0] =	vst v10;
	v10 =	vor.u32 s21, v2  }
0x80: {  	v9 =	vshll.u32 v9, $0x3;
	[tilespmem:s1+$0x280] =	vst v6;
	v6 =	vand.u32 $0x7E, v10  }
0x81: {  	s22 =	sand.u32 $0x3, s30;
	[tilespmem:s1+$0x200] =	vst v4;
	v4 =	vand.u32 $0x7FFFFC00, v9;
	v9 =	vor.u32 v9, v6  }
0x82: {  	s2 =	sshll.u32 s22, $0x5;
	[tilespmem:s1+$0x180] =	vst v5;
	v4 =	vor.u32 v6, v4;
	v5 =	vor.u32 $0x380, v9  }
0x83: {  	s2 =	sadd.s32 $0x0, s2;
	[tilespmem:s1+$0x80] =	vst v8;
	v12 =	vor.u32 $0x200, v4  }
0x84: {  	s23 =	sor.u32 $0x300, s2;
	[tilespmem:s1+$0x100] =	vst v3  }
0x85: {  	s5 =	sand.u32 $0x7, s30;
	s24 =	sor.u32 $0x380, s2;
	v10 =	vor.u32 $0x300, v9;
	[tilespmem:s23+$0x10200] =	vst v11  }
0x86: {  	s29 =	sshll.u32 s28, $0x6;
	s25 =	simm.s32 $0x10;
	s5 =	sshll.u32 s5, $0x4;
	[tilespmem:s24+$0x10200] =	vst v7;
	v7 =	vor.u32 $0x100, v4  }
0x87: {  	s22 =	simm.s32 $0x0;
	s2 =	simm.s32 $0x30;
	s5 =	sadd.s32 $0x10, s5;
	v9 =	vor.u32 $0x280, v4;
	v3 =	vld.idx.msk [tilespmem:v5+s26+$0x0], $0xffff  }
0x88: {  	s21 =	simm.s32 $0x1;
	v8 =	vor.u32 $0x80, v4;
	v6 =	vor.u32 $0x180, v4;
	s1 =	simm.s32 $0x10;
	s23 =	simm.s32 $0x100;
	v5 =	vld.idx.msk [tilespmem:v12+s26+$0x0], $0xffff  }
.LBB2_3:
0x89: {  	s30 =	sadd.s32 $0x40, s30  }
0x8a: {  	v10 =	vld.idx.msk [tilespmem:v10+s26+$0x0], $0xffff;
	s25 =	sadd.s32 $0x100, s25;
	s22 =	sadd.s32 $0x2, s22;
	s24 =	smov.u32 s2  }
0x8b: {  	p0 =	sne.s32 s2, $0x7F0;
	s2 =	sadd.s32 $0x20, s2;
	s3 =	sand.u32 $0x7, s22;
	v7 =	vld.idx.msk [tilespmem:v7+s26+$0x0], $0xffff  }
0x8c: {  	s3 =	sshll.u32 s3, $0x4;
	v9 =	vld.idx.msk [tilespmem:v9+s26+$0x0], $0xffff  }
0x8d: {  	s3 =	sadd.s32 s3, s25;
	v8 =	vld.idx.msk [tilespmem:v8+s26+$0x0], $0xffff  }
0x8e: {  	s6 =	sand.u32 $0x70, s1;
	s1 =	smov.u32 s24;
	v4 =	vld.idx.msk [tilespmem:v4+s26+$0x0], $0xffff  }
0x8f: {  	s0 =	sor.u32 s6, s0;
	v6 =	vld.idx.msk [tilespmem:v6+s26+$0x0], $0xffff  }
0x90: {  	v11 =	vmov s30;
	v12 =	vor.u32 s30, v2;
	[tilespmem:s0+$0x200] =	vst v5  }
0x91: {  	v11 =	vshll.u32 v11, $0x3;
	v5 =	vand.u32 $0x5E, v12;
	[tilespmem:s0+$0x100] =	vst v7  }
0x92: {  	v7 =	vand.u32 $0x7C00, v11;
	v11 =	vor.u32 v11, v5;
	[tilespmem:s0+$0x280] =	vst v9  }
0x93: {  	v5 =	vor.u32 v5, v7;
	v7 =	vor.u32 $0x200, v11;
	v9 =	vor.u32 $0x280, v11;
	[tilespmem:s0+$0x80] =	vst v8  }
0x94: {  	s6 =	sor.u32 $0x300, s5;
	v8 =	vor.u32 $0x80, v5;
	v12 =	vor.u32 $0x100, v5;
	v13 =	vor.u32 $0x180, v5;
	[tilespmem:s0+$0x0] =	vst v4  }
0x95: {  	v4 =	vor.u32 $0x300, v11;
	v11 =	vor.u32 $0x380, v11;
	[tilespmem:s0+$0x180] =	vst v6;
	s0 =	sor.u32 $0x380, s5;
	s5 =	smov.u32 s3  }
0x96: {  	[tilespmem:s6+$0x10200] =	vst v10  }
0x97: {  	[tilespmem:s0+$0x10200] =	vst v3  }
0x98: {  	v3 =	vld.idx.msk [tilespmem:v9+s26+$0x0], $0xffff  }
0x99: {  	v5 =	vld.idx.msk [tilespmem:v5+s26+$0x0], $0xffff  }
0x9a: {  	v6 =	vld.idx.msk [tilespmem:v4+s26+$0x0], $0xffff  }
0x9b: {  	v9 =	vld.idx.msk [tilespmem:v11+s26+$0x0], $0xffff  }
0x9c: {  	v4 =	vld.idx.msk [tilespmem:v7+s26+$0x0], $0xffff  }
0x9d: {  	s3 =	sand.u32 $0x3C00, s23;
	s0 =	sadd.s32 $0xFFFFFFF0, s1;
	v7 =	vld.idx.msk [tilespmem:v13+s26+$0x0], $0xffff  }
0x9e: {  	s6 =	sand.u32 $0x60, s0;
	s0 =	sor.u32 $0x10200, s3;
	v8 =	vld.idx.msk [tilespmem:v8+s26+$0x0], $0xffff  }
0x9f: {  	s3 =	sor.u32 s6, s0;
	s6 =	sadd.s32 $0x20, s30;
	v10 =	vld.idx.msk [tilespmem:v12+s26+$0x0], $0xffff  }
0xa0: {  	v11 =	vor.u32 s6, v2;
	[tilespmem:s3+$0x0] =	vst v5;
	v5 =	vmov s6  }
0xa1: {  	[tilespmem:s3+$0x280] =	vst v3;
	v3 =	vand.u32 $0x7E, v11;
	v5 =	vshll.u32 v5, $0x3  }
0xa2: {  	s6 =	sand.u32 $0x3, s21;
	[tilespmem:s3+$0x200] =	vst v4;
	v4 =	vand.u32 $0x7FFFFC00, v5;
	v5 =	vor.u32 v5, v3  }
0xa3: {  	s6 =	sshll.u32 s6, $0x5;
	[tilespmem:s3+$0x180] =	vst v7;
	v4 =	vor.u32 v3, v4;
	v3 =	vor.u32 $0x380, v5  }
0xa4: {  	s6 =	sadd.s32 s6, s23;
	[tilespmem:s3+$0x80] =	vst v8;
	v11 =	vor.u32 $0x200, v4  }
.Ltmp2:
0xa5: {  	[tilespmem:s3+$0x100] =	vst v10;
	s3 =	sor.u32 $0x300, s6;
	v10 =	vor.u32 $0x300, v5;
	(pc) =	sbr.rel @p0 .LBB2_3-.Ltmp2, $4  }
0xa6: {  	v7 =	vor.u32 $0x100, v4;
	[tilespmem:s3+$0x10200] =	vst v6;
	s3 =	sor.u32 $0x380, s6  }
0xa7: {  	[tilespmem:s3+$0x10200] =	vst v9;
	v9 =	vor.u32 $0x280, v4  }
0xa8: {  	v8 =	vor.u32 $0x80, v4;
	v3 =	vld.idx.msk [tilespmem:v3+s26+$0x0], $0xffff  }
0xa9: {  	s21 =	sadd.s32 $0x1, s21;
	s23 =	sadd.s32 $0x100, s23;
	v6 =	vor.u32 $0x180, v4;
	v5 =	vld.idx.msk [tilespmem:v11+s26+$0x0], $0xffff  }
0xaa: {  	_ =	sdelay $0x3  }
0xab: {  	v10 =	vld.idx.msk [tilespmem:v10+s26+$0x0], $0xffff  }
0xac: {  	v7 =	vld.idx.msk [tilespmem:v7+s26+$0x0], $0xffff  }
0xad: {  	v9 =	vld.idx.msk [tilespmem:v9+s26+$0x0], $0xffff  }
0xae: {  	v8 =	vld.idx.msk [tilespmem:v8+s26+$0x0], $0xffff;
	s1 =	sand.u32 $0x70, s1  }
0xaf: {  	v4 =	vld.idx.msk [tilespmem:v4+s26+$0x0], $0xffff;
	s0 =	sor.u32 s1, s0  }
0xb0: {  	v6 =	vld.idx.msk [tilespmem:v6+s26+$0x0], $0xffff;
	[tilespmem:s0+$0x200] =	vst v5  }
0xb1: {  	[tilespmem:s0+$0x100] =	vst v7  }
0xb2: {  	[tilespmem:s0+$0x280] =	vst v9  }
0xb3: {  	[tilespmem:s0+$0x80] =	vst v8  }
0xb4: {  	[tilespmem:s0+$0x0] =	vst v4  }
0xb5: {  	s21 =	sor.u32 $0x300, s5;
	[tilespmem:s0+$0x180] =	vst v6  }
0xb6: {  	s22 =	sor.u32 $0x380, s5;
	s23 =	sshll.u32 s28, $0xC;
	s24 =	rddreg [dreg:$0x8];
	[tilespmem:s21+$0x10200] =	vst v10  }
0xb7: {  	s25 =	simm.s32 $0x10200;
	p0 =	seq.s32 s28, $0x1F;
	s0 =	sadd.s32 s23, s24;
	[tilespmem:s22+$0x10200] =	vst v3  }
0xb8: {  	[hbm4b:s0+s4] =	stream.linear.scatter [tilespmem:s25], [sflag:$0x3], $0x4000, $0x38;
	[tilespmem:$0x18200] =	vst v63  }
0xb9: {  	s0 =	sshrl.u32 @!p0 s29, $0x2  }
0xba: {  	v3 =	vld.msk @!p0 [tilespmem:s0+$0x10], $0xff;
	_ =	sdelay $0x4  }
0xbb: {  	v4 =	vshll.u32 @!p0 v3, $0x5  }
0xbc: {  	v5 =	vlaneseq.u32 @!p0;
	v3 =	vand.u32 @!p0 $0x7, v3;
	v4 =	vand.u32 @!p0 $0xFFFFFF00, v4  }
0xbd: {  	v3 =	vor.u32 @!p0 v3, v4;
	v4 =	vand.u32 @!p0 $0x7, v5;
	v5 =	vshrl.u32 @!p0 v5, $0x3  }
0xbe: {  	v3 =	vperm.xlane @!p0 v3, v4;
	v4 =	vmul.u32 @!p0 $0x8, v5;
	_ =	sdelay $0x1  }
0xbf: {  	v3 =	vadd.s32 @!p0 v4, v3;
	_ =	sdelay $0x3  }
0xc0: {  	vm1 =	vmmov @!p0 $0xffff;
	s1 =	simm.s32 @!p0 $0x200;
	s0 =	simm.s32 @!p0 $0x0  }
0xc1: {  	[tilespmem:s1], [sflag:$0x1] =	stream.indirect_vreg.gather @!p0 [hbm4b:s7+s0], $0x80, v3, vm1, $0xb8;
	[tilespmem:$0x18200] =	vst v63  }
0xc2: {  	s2 =	rddreg [dreg:$0x5];
	s1 =	simm.s32 @!p0 $0xA00  }
0xc3: {  	[tilespmem:s1], [sflag:$0x1] =	stream.indirect_vreg.gather @!p0 [hbm4b:s2+s0], $0x80, v3, vm1, $0xb8;
	[tilespmem:$0x18200] =	vst v63  }
0xc4: {  	s1 =	simm.s32 @!p0 $0x1200;
	s2 =	rddreg [dreg:$0x6]  }
0xc5: {  	[tilespmem:s1], [sflag:$0x1] =	stream.indirect_vreg.gather @!p0 [hbm4b:s2+s0], $0x80, v3, vm1, $0xb8;
	[tilespmem:$0x18200] =	vst v63  }
0xc6: {  	s1 =	simm.s32 @!p0 $0x1A00  }
0xc7: {  	[tilespmem:s1], [sflag:$0x1] =	stream.indirect_vreg.gather @!p0 [hbm4b:s8+s0], $0x80, v3, vm1, $0xb8;
	[tilespmem:$0x18200] =	vst v63  }
0xc8: {  	s1 =	simm.s32 @!p0 $0x2200  }
0xc9: {  	[tilespmem:s1], [sflag:$0x1] =	stream.indirect_vreg.gather @!p0 [hbm4b:s9+s0], $0x80, v3, vm1, $0xb8;
	[tilespmem:$0x18200] =	vst v63  }
0xca: {  	s1 =	simm.s32 @!p0 $0x2A00  }
0xcb: {  	[tilespmem:s1], [sflag:$0x1] =	stream.indirect_vreg.gather @!p0 [hbm4b:s10+s0], $0x80, v3, vm1, $0xb8;
	[tilespmem:$0x18200] =	vst v63  }
0xcc: {  	s1 =	simm.s32 @!p0 $0x3200  }
0xcd: {  	[tilespmem:s1], [sflag:$0x1] =	stream.indirect_vreg.gather @!p0 [hbm4b:s11+s0], $0x80, v3, vm1, $0xb8;
	[tilespmem:$0x18200] =	vst v63  }
0xce: {  	s1 =	simm.s32 @!p0 $0x3A00  }
0xcf: {  	[tilespmem:s1], [sflag:$0x1] =	stream.indirect_vreg.gather @!p0 [hbm4b:s12+s0], $0x80, v3, vm1, $0xb8;
	[tilespmem:$0x18200] =	vst v63  }
0xd0: {  	s1 =	simm.s32 @!p0 $0x4200  }
0xd1: {  	[tilespmem:s1], [sflag:$0x1] =	stream.indirect_vreg.gather @!p0 [hbm4b:s13+s0], $0x80, v3, vm1, $0xb8;
	[tilespmem:$0x18200] =	vst v63  }
0xd2: {  	s1 =	simm.s32 @!p0 $0x4A00  }
0xd3: {  	[tilespmem:s1], [sflag:$0x1] =	stream.indirect_vreg.gather @!p0 [hbm4b:s14+s0], $0x80, v3, vm1, $0xb8;
	[tilespmem:$0x18200] =	vst v63  }
0xd4: {  	s1 =	simm.s32 @!p0 $0x5200  }
0xd5: {  	[tilespmem:s1], [sflag:$0x1] =	stream.indirect_vreg.gather @!p0 [hbm4b:s15+s0], $0x80, v3, vm1, $0xb8;
	[tilespmem:$0x18200] =	vst v63  }
0xd6: {  	s1 =	simm.s32 @!p0 $0x5A00  }
0xd7: {  	[tilespmem:s1], [sflag:$0x1] =	stream.indirect_vreg.gather @!p0 [hbm4b:s16+s0], $0x80, v3, vm1, $0xb8;
	[tilespmem:$0x18200] =	vst v63  }
0xd8: {  	s1 =	simm.s32 @!p0 $0x6200  }
0xd9: {  	[tilespmem:s1], [sflag:$0x1] =	stream.indirect_vreg.gather @!p0 [hbm4b:s17+s0], $0x80, v3, vm1, $0xb8;
	[tilespmem:$0x18200] =	vst v63  }
0xda: {  	p1 =	seq.s32 @!p0 s28, $0x0;
	s1 =	simm.s32 @!p0 $0x6A00  }
0xdb: {  	[tilespmem:s1], [sflag:$0x1] =	stream.indirect_vreg.gather @!p0 [hbm4b:s18+s0], $0x80, v3, vm1, $0xb8;
	[tilespmem:$0x18200] =	vst v63  }
0xdc: {  	p1 =	por p0, !p1;
	s1 =	simm.s32 @!p0 $0x7200  }
0xdd: {  	[tilespmem:s1], [sflag:$0x1] =	stream.indirect_vreg.gather @!p0 [hbm4b:s19+s0], $0x80, v3, vm1, $0xb8;
	[tilespmem:$0x18200] =	vst v63  }
.Ltmp3:
0xde: {  	_ = 	snop;
	(pc) =	sbr.rel @!p1 .LBB2_6-.Ltmp3, $4  }
0xdf: {  	s1 =	simm.s32 @!p0 $0x7A00  }
0xe0: {  	[tilespmem:s1], [sflag:$0x1] =	stream.indirect_vreg.gather @!p0 [hbm4b:s20+s0], $0x80, v3, vm1, $0xb8;
	[tilespmem:$0x18200] =	vst v63  }
0xe1: {  	s0 =	sshll.u32 @!p0 s28, $0x4;
	s1 =	rddreg [dreg:$0x7]  }
0xe2: {  	s30 =	sadd.s32 @!p0 s1, s0  }
0xe3: {  	s1 =	simm.s32 $0x4  }
0xe4: {  	_ =	swait.ge [sflag:s1], $0x4000  }
0xe5: {  	[sflag:s1] =	ssyncset.done $0x0;
	s0 =	rddreg [dreg:$0x9]  }
0xe6: {  	s30 =	smov.u32 @p0 s0;
	[sflag:s1] =	ssyncadd.s32 $0xFFFFC000  }
.LBB2_6:
0xe7: {  	s5 =	simm.s32 $0x0  }
0xe8: {  	v3 =	vmov s5;
	v4 =	vor.u32 s5, v2  }
0xe9: {  	v4 =	vand.u32 $0x5E, v4;
	v3 =	vshll.u32 v3, $0x3  }
0xea: {  	v5 =	vor.u32 v3, v4  }
0xeb: {  	v3 =	vand.u32 $0x7C00, v3;
	v6 =	vor.u32 $0x280, v5  }
0xec: {  	s0 =	simm.s32 $0x2;
	v3 =	vor.u32 v4, v3  }
0xed: {  	_ =	swait.ge [sflag:s0], $0x8000;
	v4 =	vor.u32 $0x300, v5  }
0xee: {  	[sflag:s0] =	ssyncset.done $0x0;
	v7 =	vor.u32 $0x380, v5  }
0xef: {  	[sflag:s0] =	ssyncadd.s32 $0xFFFF8000;
	v5 =	vor.u32 $0x200, v5  }
0xf0: {  	v8 =	vor.u32 $0x180, v3;
	v6 =	vld.idx.msk [tilespmem:v6+s31+$0x0], $0xffff  }
0xf1: {  	v9 =	vor.u32 $0x80, v3;
	v10 =	vld.idx.msk [tilespmem:v3+s31+$0x0], $0xffff  }
0xf2: {  	v3 =	vor.u32 $0x100, v3;
	v11 =	vld.idx.msk [tilespmem:v4+s31+$0x0], $0xffff  }
0xf3: {  	v7 =	vld.idx.msk [tilespmem:v7+s31+$0x0], $0xffff  }
0xf4: {  	s6 =	simm.s32 $0x0;
	s1 =	sand.u32 $0x3C00, s5;
	v4 =	vld.idx.msk [tilespmem:v5+s31+$0x0], $0xffff  }
0xf5: {  	s24 =	sor.u32 $0x14200, s1;
	s0 =	sand.u32 $0x60, s6;
	v5 =	vld.idx.msk [tilespmem:v8+s31+$0x0], $0xffff  }
0xf6: {  	s7 =	simm.s32 $0x20;
	s0 =	sor.u32 s0, s24;
	v8 =	vld.idx.msk [tilespmem:v9+s31+$0x0], $0xffff  }
0xf7: {  	v9 =	vmov s7;
	v3 =	vld.idx.msk [tilespmem:v3+s31+$0x0], $0xffff;
	[tilespmem:s0+$0x0] =	vst v10;
	v10 =	vor.u32 s7, v2  }
0xf8: {  	v9 =	vshll.u32 v9, $0x3;
	[tilespmem:s0+$0x280] =	vst v6;
	v6 =	vand.u32 $0x7E, v10  }
0xf9: {  	s21 =	sand.u32 $0x3, s5;
	[tilespmem:s0+$0x200] =	vst v4;
	v4 =	vand.u32 $0x7FFFFC00, v9;
	v9 =	vor.u32 v9, v6  }
0xfa: {  	s1 =	sshll.u32 s21, $0x5;
	[tilespmem:s0+$0x180] =	vst v5;
	v4 =	vor.u32 v6, v4;
	v5 =	vor.u32 $0x380, v9  }
0xfb: {  	s1 =	sadd.s32 $0x0, s1;
	[tilespmem:s0+$0x80] =	vst v8;
	v12 =	vor.u32 $0x200, v4  }
0xfc: {  	s22 =	sor.u32 $0x300, s1;
	[tilespmem:s0+$0x100] =	vst v3  }
0xfd: {  	s3 =	sand.u32 $0x7, s5;
	s23 =	sor.u32 $0x380, s1;
	v10 =	vor.u32 $0x300, v9;
	[tilespmem:s22+$0x14200] =	vst v11  }
0xfe: {  	s2 =	simm.s32 $0x10;
	s25 =	sshll.u32 s3, $0x4;
	[tilespmem:s23+$0x14200] =	vst v7;
	v7 =	vor.u32 $0x100, v4  }
0xff: {  	s21 =	simm.s32 $0x10;
	s25 =	sadd.s32 $0x10, s25;
	s1 =	simm.s32 $0x100;
	v9 =	vor.u32 $0x280, v4;
	v3 =	vld.idx.msk [tilespmem:v5+s31+$0x0], $0xffff  }
0x100: {  	v8 =	vor.u32 $0x80, v4;
	v6 =	vor.u32 $0x180, v4;
	s0 =	simm.s32 $0x0;
	s22 =	simm.s32 $0x1;
	s23 =	simm.s32 $0x30;
	v5 =	vld.idx.msk [tilespmem:v12+s31+$0x0], $0xffff  }
.LBB2_7:
0x101: {  	s5 =	sadd.s32 $0x40, s5  }
0x102: {  	v10 =	vld.idx.msk [tilespmem:v10+s31+$0x0], $0xffff;
	s2 =	sadd.s32 $0x100, s2;
	s0 =	sadd.s32 $0x2, s0;
	s3 =	smov.u32 s23  }
0x103: {  	p1 =	sne.s32 s23, $0x7F0;
	s23 =	sadd.s32 $0x20, s23;
	s6 =	sand.u32 $0x7, s0;
	v7 =	vld.idx.msk [tilespmem:v7+s31+$0x0], $0xffff  }
0x104: {  	s6 =	sshll.u32 s6, $0x4;
	v9 =	vld.idx.msk [tilespmem:v9+s31+$0x0], $0xffff  }
0x105: {  	s6 =	sadd.s32 s6, s2;
	v8 =	vld.idx.msk [tilespmem:v8+s31+$0x0], $0xffff  }
0x106: {  	s7 =	sand.u32 $0x70, s21;
	s21 =	smov.u32 s3;
	v4 =	vld.idx.msk [tilespmem:v4+s31+$0x0], $0xffff  }
0x107: {  	s3 =	sor.u32 s7, s24;
	v6 =	vld.idx.msk [tilespmem:v6+s31+$0x0], $0xffff  }
0x108: {  	v11 =	vmov s5;
	v12 =	vor.u32 s5, v2;
	[tilespmem:s3+$0x200] =	vst v5  }
0x109: {  	v11 =	vshll.u32 v11, $0x3;
	v5 =	vand.u32 $0x5E, v12;
	[tilespmem:s3+$0x100] =	vst v7  }
0x10a: {  	v7 =	vand.u32 $0x7C00, v11;
	v11 =	vor.u32 v11, v5;
	[tilespmem:s3+$0x280] =	vst v9  }
0x10b: {  	v5 =	vor.u32 v5, v7;
	v7 =	vor.u32 $0x200, v11;
	v9 =	vor.u32 $0x280, v11;
	[tilespmem:s3+$0x80] =	vst v8  }
0x10c: {  	s7 =	sor.u32 $0x300, s25;
	v8 =	vor.u32 $0x80, v5;
	v12 =	vor.u32 $0x100, v5;
	v13 =	vor.u32 $0x180, v5;
	[tilespmem:s3+$0x0] =	vst v4  }
0x10d: {  	v4 =	vor.u32 $0x300, v11;
	v11 =	vor.u32 $0x380, v11;
	[tilespmem:s3+$0x180] =	vst v6;
	s3 =	sor.u32 $0x380, s25;
	s25 =	smov.u32 s6  }
0x10e: {  	[tilespmem:s7+$0x14200] =	vst v10  }
0x10f: {  	[tilespmem:s3+$0x14200] =	vst v3  }
0x110: {  	v3 =	vld.idx.msk [tilespmem:v9+s31+$0x0], $0xffff  }
0x111: {  	v5 =	vld.idx.msk [tilespmem:v5+s31+$0x0], $0xffff  }
0x112: {  	v6 =	vld.idx.msk [tilespmem:v4+s31+$0x0], $0xffff  }
0x113: {  	v9 =	vld.idx.msk [tilespmem:v11+s31+$0x0], $0xffff  }
0x114: {  	v4 =	vld.idx.msk [tilespmem:v7+s31+$0x0], $0xffff  }
0x115: {  	s6 =	sand.u32 $0x3C00, s1;
	s3 =	sadd.s32 $0xFFFFFFF0, s21;
	v7 =	vld.idx.msk [tilespmem:v13+s31+$0x0], $0xffff  }
0x116: {  	s24 =	sor.u32 $0x14200, s6;
	s3 =	sand.u32 $0x60, s3;
	v8 =	vld.idx.msk [tilespmem:v8+s31+$0x0], $0xffff  }
0x117: {  	s6 =	sadd.s32 $0x20, s5;
	s3 =	sor.u32 s3, s24;
	v10 =	vld.idx.msk [tilespmem:v12+s31+$0x0], $0xffff  }
0x118: {  	v11 =	vor.u32 s6, v2;
	[tilespmem:s3+$0x0] =	vst v5;
	v5 =	vmov s6  }
0x119: {  	[tilespmem:s3+$0x280] =	vst v3;
	v3 =	vand.u32 $0x7E, v11;
	v5 =	vshll.u32 v5, $0x3  }
0x11a: {  	s6 =	sand.u32 $0x3, s22;
	[tilespmem:s3+$0x200] =	vst v4;
	v4 =	vand.u32 $0x7FFFFC00, v5;
	v5 =	vor.u32 v5, v3  }
0x11b: {  	s6 =	sshll.u32 s6, $0x5;
	[tilespmem:s3+$0x180] =	vst v7;
	v4 =	vor.u32 v3, v4;
	v3 =	vor.u32 $0x380, v5  }
0x11c: {  	s6 =	sadd.s32 s6, s1;
	[tilespmem:s3+$0x80] =	vst v8;
	v11 =	vor.u32 $0x200, v4  }
.Ltmp4:
0x11d: {  	[tilespmem:s3+$0x100] =	vst v10;
	s3 =	sor.u32 $0x300, s6;
	v10 =	vor.u32 $0x300, v5;
	(pc) =	sbr.rel @p1 .LBB2_7-.Ltmp4, $4  }
0x11e: {  	v7 =	vor.u32 $0x100, v4;
	[tilespmem:s3+$0x14200] =	vst v6;
	s3 =	sor.u32 $0x380, s6  }
0x11f: {  	[tilespmem:s3+$0x14200] =	vst v9;
	v9 =	vor.u32 $0x280, v4  }
0x120: {  	v8 =	vor.u32 $0x80, v4;
	v3 =	vld.idx.msk [tilespmem:v3+s31+$0x0], $0xffff  }
0x121: {  	s22 =	sadd.s32 $0x1, s22;
	s1 =	sadd.s32 $0x100, s1;
	v6 =	vor.u32 $0x180, v4;
	v5 =	vld.idx.msk [tilespmem:v11+s31+$0x0], $0xffff  }
0x122: {  	_ =	sdelay $0x3  }
0x123: {  	v10 =	vld.idx.msk [tilespmem:v10+s31+$0x0], $0xffff  }
0x124: {  	v7 =	vld.idx.msk [tilespmem:v7+s31+$0x0], $0xffff  }
0x125: {  	v9 =	vld.idx.msk [tilespmem:v9+s31+$0x0], $0xffff  }
0x126: {  	v8 =	vld.idx.msk [tilespmem:v8+s31+$0x0], $0xffff;
	s0 =	sand.u32 $0x70, s21  }
0x127: {  	v4 =	vld.idx.msk [tilespmem:v4+s31+$0x0], $0xffff;
	s0 =	sor.u32 s0, s24  }
0x128: {  	v6 =	vld.idx.msk [tilespmem:v6+s31+$0x0], $0xffff;
	[tilespmem:s0+$0x200] =	vst v5  }
0x129: {  	[tilespmem:s0+$0x100] =	vst v7  }
0x12a: {  	[tilespmem:s0+$0x280] =	vst v9  }
0x12b: {  	[tilespmem:s0+$0x80] =	vst v8  }
.Ltmp5:
0x12c: {  	[tilespmem:s0+$0x0] =	vst v4;
	(pc) =	sbr.rel @p0 .LBB2_10-.Ltmp5, $4  }
0x12d: {  	s1 =	sor.u32 $0x300, s25;
	[tilespmem:s0+$0x180] =	vst v6  }
0x12e: {  	s23 =	sor.u32 $0x380, s25;
	s25 =	rddreg [dreg:$0x2];
	s24 =	sshll.u32 s30, $0x8;
	[tilespmem:s1+$0x14200] =	vst v10  }
0x12f: {  	s30 =	simm.s32 $0x14200;
	s0 =	sadd.s32 s25, s24;
	[tilespmem:s23+$0x14200] =	vst v3  }
0x130: {  	[hbm4b:s0+s4] =	stream.linear.scatter [tilespmem:s30], [sflag:$0x4], $0x4000, $0x38;
	[tilespmem:$0x18200] =	vst v63  }
0x131: {  	s0 =	sshrl.u32 s29, $0x2  }
0x132: {  	v3 =	vld.msk [tilespmem:s0+$0x18], $0xff;
	_ =	sdelay $0x4  }
0x133: {  	v4 =	vshll.u32 v3, $0x5  }
0x134: {  	v3 =	vand.u32 $0x7, v3;
	v4 =	vand.u32 $0xFFFFFF00, v4  }
0x135: {  	v3 =	vor.u32 v3, v4  }
0x136: {  	v3 =	vperm.xlane v3, v0;
	_ =	sdelay $0x1  }
0x137: {  	v3 =	vadd.s32 v1, v3;
	_ =	sdelay $0x3  }
0x138: {  	s7 =	rddreg [dreg:$0x0]  }
0x139: {  	[tilespmem:s31], [sflag:$0x2] =	stream.indirect_vreg.gather [hbm4b:s7+s4], $0x80, v3, vm0, $0xb8;
	[tilespmem:$0x18200] =	vst v63  }
0x13a: {  	s24 =	rddreg [dreg:$0x5];
	s1 =	simm.s32 $0x8A00  }
0x13b: {  	[tilespmem:s1], [sflag:$0x2] =	stream.indirect_vreg.gather [hbm4b:s24+s4], $0x80, v3, vm0, $0xb8;
	[tilespmem:$0x18200] =	vst v63  }
0x13c: {  	s25 =	rddreg [dreg:$0x6];
	s29 =	simm.s32 $0x9200  }
0x13d: {  	[tilespmem:s29], [sflag:$0x2] =	stream.indirect_vreg.gather [hbm4b:s25+s4], $0x80, v3, vm0, $0xb8;
	[tilespmem:$0x18200] =	vst v63  }
0x13e: {  	s30 =	simm.s32 $0x9A00  }
0x13f: {  	[tilespmem:s30], [sflag:$0x2] =	stream.indirect_vreg.gather [hbm4b:s8+s4], $0x80, v3, vm0, $0xb8;
	[tilespmem:$0x18200] =	vst v63  }
0x140: {  	s1 =	simm.s32 $0xA200  }
0x141: {  	[tilespmem:s1], [sflag:$0x2] =	stream.indirect_vreg.gather [hbm4b:s9+s4], $0x80, v3, vm0, $0xb8;
	[tilespmem:$0x18200] =	vst v63  }
0x142: {  	s2 =	simm.s32 $0xAA00  }
0x143: {  	[tilespmem:s2], [sflag:$0x2] =	stream.indirect_vreg.gather [hbm4b:s10+s4], $0x80, v3, vm0, $0xb8;
	[tilespmem:$0x18200] =	vst v63  }
0x144: {  	s3 =	simm.s32 $0xB200  }
0x145: {  	[tilespmem:s3], [sflag:$0x2] =	stream.indirect_vreg.gather [hbm4b:s11+s4], $0x80, v3, vm0, $0xb8;
	[tilespmem:$0x18200] =	vst v63  }
0x146: {  	s5 =	simm.s32 $0xBA00  }
0x147: {  	[tilespmem:s5], [sflag:$0x2] =	stream.indirect_vreg.gather [hbm4b:s12+s4], $0x80, v3, vm0, $0xb8;
	[tilespmem:$0x18200] =	vst v63  }
0x148: {  	s6 =	simm.s32 $0xC200  }
0x149: {  	[tilespmem:s6], [sflag:$0x2] =	stream.indirect_vreg.gather [hbm4b:s13+s4], $0x80, v3, vm0, $0xb8;
	[tilespmem:$0x18200] =	vst v63  }
0x14a: {  	s21 =	simm.s32 $0xCA00  }
0x14b: {  	[tilespmem:s21], [sflag:$0x2] =	stream.indirect_vreg.gather [hbm4b:s14+s4], $0x80, v3, vm0, $0xb8;
	[tilespmem:$0x18200] =	vst v63  }
0x14c: {  	s22 =	simm.s32 $0xD200  }
0x14d: {  	[tilespmem:s22], [sflag:$0x2] =	stream.indirect_vreg.gather [hbm4b:s15+s4], $0x80, v3, vm0, $0xb8;
	[tilespmem:$0x18200] =	vst v63  }
0x14e: {  	s23 =	simm.s32 $0xDA00  }
0x14f: {  	[tilespmem:s23], [sflag:$0x2] =	stream.indirect_vreg.gather [hbm4b:s16+s4], $0x80, v3, vm0, $0xb8;
	[tilespmem:$0x18200] =	vst v63  }
0x150: {  	s24 =	simm.s32 $0xE200  }
0x151: {  	[tilespmem:s24], [sflag:$0x2] =	stream.indirect_vreg.gather [hbm4b:s17+s4], $0x80, v3, vm0, $0xb8;
	[tilespmem:$0x18200] =	vst v63  }
0x152: {  	s25 =	simm.s32 $0xEA00  }
0x153: {  	[tilespmem:s25], [sflag:$0x2] =	stream.indirect_vreg.gather [hbm4b:s18+s4], $0x80, v3, vm0, $0xb8;
	[tilespmem:$0x18200] =	vst v63  }
.Ltmp6:
0x154: {  	_ = 	snop;
	(pc) =	sbr.rel .LBB2_2-.Ltmp6, $4  }
0x155: {  	s29 =	simm.s32 $0xF200  }
0x156: {  	[tilespmem:s29], [sflag:$0x2] =	stream.indirect_vreg.gather [hbm4b:s19+s4], $0x80, v3, vm0, $0xb8;
	[tilespmem:$0x18200] =	vst v63  }
0x157: {  	s28 =	sadd.s32 $0x1, s28;
	s30 =	simm.s32 $0xFA00  }
0x158: {  	[tilespmem:s30], [sflag:$0x2] =	stream.indirect_vreg.gather [hbm4b:s20+s4], $0x80, v3, vm0, $0xb8;
	[tilespmem:$0x18200] =	vst v63  }
.LBB2_11:
0x159: {  	_ =	sfence.sel $0x180000  }
0x15a: {  	[bflag:$0x0] =	sbarrier.arrive $0xFFFF  }
0x15b: {  	_ =	strace $0x90000047  }
0x15c: {  	s0 =	stileid.u32;
	[bflag:$0x2] =	sbarrier.arrive $0xFFFF  }
0x15d: {  	p0 =	sne.s32 s0, $0x0;
	s0 =	rddreg [dreg:$0x3]  }
0x15e: {  	s0 =	sadd.s32 @!p0 $0x100000, s0  }
0x15f: {  	[sflag:s0] =	ssyncadd.tile.s32 @!p0 $0x1;
	_ =	shalt  }
.Lfunc_end2:
_tile_overlayer_lowered:
.L_overlay_start_2:
0x160: {  	(tag) =	ssettag $0x2  }
0x161: {  	s0 =	rddreg [dreg:$0x0];
	s2 =	stileid.u32  }
0x162: {  	s1 =	rddreg [dreg:$0x1];
	p0 =	sne.s32 s2, $0x0  }
0x163: {  	s3 =	rddreg [dreg:$0x2];
	[bflag:$0x3] =	sbarrier.arrive $0xFFFF;
	s2 =	simm.s32 @!p0 $0x1C05  }
0x164: {  	[timem:s3], [sflag:s2] =	dma.local @!p0 [hbm:s0], s1  }
0x165: {  	s0 =	simm.s32 @!p0 $0x5  }
0x166: {  	_ =	swait.ge @!p0 [sflag:s0], s1  }
0x167: {  	s1 =	ssub.s32 @!p0 $0x0, s1;
	[sflag:s0] =	ssyncset.done @!p0 $0x0  }
0x168: {  	[sflag:s0] =	ssyncadd.s32 @!p0 s1  }
0x169: {  	[bflag:$0x3] =	sbarrier.arrive $0xFFFF  }
0x16a: {  	_ =	shalt  }

</sc_bundles>
